<compile_context>
chip_gen: v7x
topology: tpu7x:2x2x1
jax: 0.10.2.dev20260603
libtpu: 0.0.44.dev20260713+nightly
codegen_flags: <defaults>
</compile_context>

<pallas_src>
import functools

import jax
import jax.numpy as jnp
from jax import lax
from jax.experimental import pallas as pl
from jax.experimental.pallas import tpu as pltpu
from jax.experimental.pallas import tpu_sc as plsc

B, T, D = 1024, 200, 128
ROWS = B * T
NC, NS = 2, 16
NW = NC * NS
ROWS_PER_W = ROWS // NW
CHUNK = 64
NCHUNK = ROWS_PER_W // CHUNK
NBUF = 10
NGROUP = NCHUNK // NBUF

RB = 4096
NB = ROWS // RB


@functools.partial(
    pl.kernel,
    out_type=jax.ShapeDtypeStruct((ROWS, D), jnp.float32),
    scratch_types=[
        pltpu.VMEM((NCHUNK, CHUNK), jnp.int32),
        pltpu.VMEM((NBUF, CHUNK, D), jnp.float32),
        pltpu.SemaphoreType.DMA((NBUF,)),
        pltpu.SemaphoreType.DMA((NBUF,)),
    ],
    mesh=plsc.VectorSubcoreMesh(core_axis_name="c", subcore_axis_name="s"),
)
def _sc_gather(table_hbm, idx_hbm, out_hbm, idx_v, rows_v, gsem, osem):
    wid = lax.axis_index("s") * NC + lax.axis_index("c")
    base = wid * ROWS_PER_W
    pltpu.sync_copy(idx_hbm.at[wid], idx_v)

    def gather_start(j, b):
        pltpu.async_copy(table_hbm.at[idx_v.at[j]], rows_v.at[b], gsem.at[b])

    def gather_wait(j, b):
        pltpu.make_async_copy(
            table_hbm.at[idx_v.at[j]], rows_v.at[b], gsem.at[b]
        ).wait()

    def out_start(j, b):
        pltpu.async_copy(
            rows_v.at[b], out_hbm.at[pl.ds(base + j * CHUNK, CHUNK)], osem.at[b]
        )

    def out_wait(j, b):
        pltpu.make_async_copy(
            rows_v.at[b], out_hbm.at[pl.ds(base + j * CHUNK, CHUNK)], osem.at[b]
        ).wait()

    for b in range(NBUF):
        gather_start(b, b)

    def body(g, carry):
        for b in range(NBUF):
            j = g * NBUF + b
            gather_wait(j, b)
            out_start(j, b)

            @pl.when(g < NGROUP - 1)
            def _():
                out_wait(j, b)
                gather_start(j + NBUF, b)

        return carry

    lax.fori_loop(0, NGROUP, body, 0)

    for b in range(NBUF):
        out_wait((NGROUP - 1) * NBUF + b, b)


def _loss_body(logits_ref, tgt_ref, out_ref):
    i = pl.program_id(0)
    blk = logits_ref[...]
    e = jnp.exp(blk)
    ssum = lax.dot_general(
        e,
        jnp.ones((D, D), jnp.float32),
        (((1,), (0,)), ((), ())),
        precision=lax.Precision.DEFAULT,
        preferred_element_type=jnp.float32,
    )
    tgt = tgt_ref[0, 0, :]
    col = lax.broadcasted_iota(jnp.int32, (RB, D), 1)
    pe = jnp.where(col == tgt[:, None], blk, 0.0)
    part = jnp.sum(jnp.log(ssum)) * (1.0 / D) - jnp.sum(pe)

    @pl.when(i == 0)
    def _():
        out_ref[0, 0] = 0.0

    out_ref[0, 0] += part

    @pl.when(i == NB - 1)
    def _():
        out_ref[0, 0] = out_ref[0, 0] / ROWS


_loss_call = pl.pallas_call(
    _loss_body,
    grid=(NB,),
    in_specs=[
        pl.BlockSpec((RB, D), lambda i: (i, 0)),
        pl.BlockSpec((1, 1, RB), lambda i: (i, 0, 0)),
    ],
    out_specs=pl.BlockSpec((1, 1), lambda i: (0, 0), memory_space=pltpu.SMEM),
    out_shape=jax.ShapeDtypeStruct((1, 1), jnp.float32),
)


def kernel(idx, targets, table):
    idx_w = idx.reshape(NW, NCHUNK, CHUNK).astype(jnp.int32)
    logits2 = _sc_gather(table, idx_w)
    tgt3 = targets.reshape(NB, 1, RB).astype(jnp.int32)
    loss = _loss_call(logits2, tgt3)
    return logits2.reshape(B, T, D), loss[0, 0]

# --- scband reference (transcript-rebuilt; emitter-appended) ---
"""Pipeline reference for scband-bigram-model-79680233275652 (READ-ONLY COPY).

The authoritative reference and input builder live on the scoring server;
editing this copy changes nothing except your own understanding.
"""

import jax, jax.numpy as jnp
import numpy as np

NUM_EMBEDDINGS = 100000
EMBEDDING_DIM = 128
B, T = 1024, 200


def setup_inputs(seed: int = 0) -> dict:
    key = jax.random.key(seed)
    k1, k2, k3 = jax.random.split(key, 3)
    idx = jax.random.randint(k1, (B, T), 0, NUM_EMBEDDINGS, dtype=jnp.int64 if jax.config.jax_enable_x64 else jnp.int32)
    targets = jax.random.randint(k2, (B, T), 0, EMBEDDING_DIM, dtype=jnp.int64 if jax.config.jax_enable_x64 else jnp.int32)
    table = jax.random.normal(k3, (NUM_EMBEDDINGS, EMBEDDING_DIM), dtype=jnp.float32) * 0.02
    return {"idx": idx, "targets": targets, "table": table}


def reference(idx, targets, table):
    # logits = self.embedding_model(idx)  -> embedding lookup
    logits = jnp.take(table, idx, axis=0)  # [B, T, C]
    Bv, Tv, C = logits.shape
    logits2 = logits.reshape(Bv * Tv, C)
    targets2 = targets.reshape(Bv * Tv)
    # F.cross_entropy(logits2, targets2) with mean reduction
    log_probs = jax.nn.log_softmax(logits2, axis=-1)
    nll = -jnp.take_along_axis(log_probs, targets2[:, None], axis=1)[:, 0]
    loss = jnp.mean(nll)
    return (logits, loss)

if __name__ == "__main__":
    import jax
    _d = setup_inputs()
    print(jax.jit(kernel)(*tuple(_d.values())))

</pallas_src>

<mosaic_0001>
#map = affine_map<(d0, d1) -> (0, 0)>
#map1 = affine_map<(d0, d1) -> (0, 0, 0)>
module attributes {stable_mosaic.version = 14 : i64} {
  func.func @_sc_gather(%arg0: i32, %arg1: i32, %arg2: memref<100000x128xf32, #tpu.memory_space<hbm>>, %arg3: memref<32x100x64xi32, #tpu.memory_space<hbm>>, %arg4: memref<204800x128xf32, #tpu.memory_space<hbm>>, %arg5: memref<100x64xi32, #tpu.memory_space<vmem>>, %arg6: memref<10x64x128xf32, #tpu.memory_space<vmem>>, %arg7: memref<10x!tpu.dma_semaphore, #tpu.memory_space<semaphore_mem>>, %arg8: memref<10x!tpu.dma_semaphore, #tpu.memory_space<semaphore_mem>>) attributes {dimension_semantics = [#tpu.dimension_semantics<core_parallel>, #tpu.dimension_semantics<subcore_parallel>], iteration_bounds = array<i64: 2, 16>, scalar_prefetch = 0 : i64, scratch_operands = 4 : i64, tpu.core_type = #tpu.core_type<sc_vector_subcore>, window_params = [{transform_indices = #map}, {transform_indices = #map1}, {transform_indices = #map}]} {
    %mul3A = arith.constant 2 : i32
    %mul3A_0 = arith.muli %arg1, %mul3A : i32
    %add3A = arith.addi %mul3A_0, %arg0 : i32
    %mul3A_1 = arith.constant 6400 : i32
    %mul3A_2 = arith.muli %add3A, %mul3A_1 : i32
    "tpu.region"() ({
      %run_scoped3A = tpu.sem_alloc : memref<!tpu.dma_semaphore, #tpu.memory_space<semaphore_mem>>
      %dma_start3A_336 = arith.constant 0 : i32
      %dma_start3A_337 = arith.constant 0 : i32
      %dma_start3A_338 = tpu.memref_slice %arg3[%add3A, %dma_start3A_336, %dma_start3A_337] : memref<32x100x64xi32, #tpu.memory_space<hbm>> -> memref<1x100x64xi32, #tpu.memory_space<hbm>>
      %dma_start3A_339 = tpu.memref_squeeze %dma_start3A_338 : memref<1x100x64xi32, #tpu.memory_space<hbm>> -> memref<100x64xi32, #tpu.memory_space<hbm>>
      %dma_start3A_340 = arith.constant 0 : i32
      %dma_start3A_341 = arith.constant 0 : i32
      %dma_start3A_342 = tpu.memref_slice %arg3[%add3A, %dma_start3A_340, %dma_start3A_341] : memref<32x100x64xi32, #tpu.memory_space<hbm>> -> memref<1x100x64xi32, #tpu.memory_space<hbm>>
      %dma_start3A_343 = tpu.memref_squeeze %dma_start3A_342 : memref<1x100x64xi32, #tpu.memory_space<hbm>> -> memref<100x64xi32, #tpu.memory_space<hbm>>
      tpu.enqueue_dma source(%dma_start3A_343 : memref<100x64xi32, #tpu.memory_space<hbm>>) target(%arg5 : memref<100x64xi32, #tpu.memory_space<vmem>>) target_semaphore(%run_scoped3A : memref<!tpu.dma_semaphore, #tpu.memory_space<semaphore_mem>>)
      %dma_wait3A_344 = arith.constant 0 : i32
      %dma_wait3A_345 = arith.constant 0 : i32
      %dma_wait3A_346 = tpu.memref_slice %arg3[%add3A, %dma_wait3A_344, %dma_wait3A_345] : memref<32x100x64xi32, #tpu.memory_space<hbm>> -> memref<1x100x64xi32, #tpu.memory_space<hbm>>
      %dma_wait3A_347 = tpu.memref_squeeze %dma_wait3A_346 : memref<1x100x64xi32, #tpu.memory_space<hbm>> -> memref<100x64xi32, #tpu.memory_space<hbm>>
      %dma_wait3A_348 = arith.constant 0 : i32
      %dma_wait3A_349 = arith.constant 0 : i32
      %dma_wait3A_350 = tpu.memref_slice %arg3[%add3A, %dma_wait3A_348, %dma_wait3A_349] : memref<32x100x64xi32, #tpu.memory_space<hbm>> -> memref<1x100x64xi32, #tpu.memory_space<hbm>>
      %dma_wait3A_351 = tpu.memref_squeeze %dma_wait3A_350 : memref<1x100x64xi32, #tpu.memory_space<hbm>> -> memref<100x64xi32, #tpu.memory_space<hbm>>
      tpu.wait_dma2 semaphore(%run_scoped3A : memref<!tpu.dma_semaphore, #tpu.memory_space<semaphore_mem>>) src(%dma_wait3A_351 : memref<100x64xi32, #tpu.memory_space<hbm>>) dst(%arg5 : memref<100x64xi32, #tpu.memory_space<vmem>>)
      tpu.yield
    }) : () -> ()
    %dma_start3A = arith.constant 0 : i32
    %dma_start3A_3 = arith.constant 0 : i32
    %dma_start3A_4 = arith.constant 0 : i32
    %dma_start3A_5 = arith.constant 0 : i32
    %dma_start3A_6 = arith.constant 0 : i32
    %dma_start3A_7 = tpu.memref_slice %arg6[%dma_start3A_3, %dma_start3A_5, %dma_start3A_6] : memref<10x64x128xf32, #tpu.memory_space<vmem>> -> memref<1x64x128xf32, #tpu.memory_space<vmem>>
    %dma_start3A_8 = tpu.memref_squeeze %dma_start3A_7 : memref<1x64x128xf32, #tpu.memory_space<vmem>> -> memref<64x128xf32, #tpu.memory_space<vmem>>
    %dma_start3A_9 = arith.constant 0 : i32
    %dma_start3A_10 = tpu.memref_slice %arg5[%dma_start3A, %dma_start3A_9] : memref<100x64xi32, #tpu.memory_space<vmem>> -> memref<1x64xi32, #tpu.memory_space<vmem>>
    %dma_start3A_11 = tpu.memref_squeeze %dma_start3A_10 : memref<1x64xi32, #tpu.memory_space<vmem>> -> memref<64xi32, #tpu.memory_space<vmem>>
    %dma_start3A_12 = arith.constant 0 : i32
    %dma_start3A_13 = arith.constant 0 : i32
    %dma_start3A_14 = tpu.memref_slice %arg2[%dma_start3A_12, %dma_start3A_13] : memref<100000x128xf32, #tpu.memory_space<hbm>> -> memref<100000x128xf32, #tpu.memory_space<hbm>>
    %dma_start3A_15 = tpu.memref_slice %arg7[%dma_start3A_4] : memref<10x!tpu.dma_semaphore, #tpu.memory_space<semaphore_mem>> -> memref<1x!tpu.dma_semaphore, #tpu.memory_space<semaphore_mem>>
    %dma_start3A_16 = tpu.memref_squeeze %dma_start3A_15 : memref<1x!tpu.dma_semaphore, #tpu.memory_space<semaphore_mem>> -> memref<!tpu.dma_semaphore, #tpu.memory_space<semaphore_mem>>
    tpu.enqueue_indirect_dma source(%dma_start3A_14 : memref<100000x128xf32, #tpu.memory_space<hbm>>) target(%dma_start3A_8 : memref<64x128xf32, #tpu.memory_space<vmem>>) offsets(%dma_start3A_11 : memref<64xi32, #tpu.memory_space<vmem>>) semaphore(%dma_start3A_16 : memref<!tpu.dma_semaphore, #tpu.memory_space<semaphore_mem>>)
    %dma_start3A_17 = arith.constant 1 : i32
    %dma_start3A_18 = arith.constant 1 : i32
    %dma_start3A_19 = arith.constant 1 : i32
    %dma_start3A_20 = arith.constant 0 : i32
    %dma_start3A_21 = arith.constant 0 : i32
    %dma_start3A_22 = tpu.memref_slice %arg6[%dma_start3A_18, %dma_start3A_20, %dma_start3A_21] : memref<10x64x128xf32, #tpu.memory_space<vmem>> -> memref<1x64x128xf32, #tpu.memory_space<vmem>>
    %dma_start3A_23 = tpu.memref_squeeze %dma_start3A_22 : memref<1x64x128xf32, #tpu.memory_space<vmem>> -> memref<64x128xf32, #tpu.memory_space<vmem>>
    %dma_start3A_24 = arith.constant 0 : i32
    %dma_start3A_25 = tpu.memref_slice %arg5[%dma_start3A_17, %dma_start3A_24] : memref<100x64xi32, #tpu.memory_space<vmem>> -> memref<1x64xi32, #tpu.memory_space<vmem>>
    %dma_start3A_26 = tpu.memref_squeeze %dma_start3A_25 : memref<1x64xi32, #tpu.memory_space<vmem>> -> memref<64xi32, #tpu.memory_space<vmem>>
    %dma_start3A_27 = arith.constant 0 : i32
    %dma_start3A_28 = arith.constant 0 : i32
    %dma_start3A_29 = tpu.memref_slice %arg2[%dma_start3A_27, %dma_start3A_28] : memref<100000x128xf32, #tpu.memory_space<hbm>> -> memref<100000x128xf32, #tpu.memory_space<hbm>>
    %dma_start3A_30 = tpu.memref_slice %arg7[%dma_start3A_19] : memref<10x!tpu.dma_semaphore, #tpu.memory_space<semaphore_mem>> -> memref<1x!tpu.dma_semaphore, #tpu.memory_space<semaphore_mem>>
    %dma_start3A_31 = tpu.memref_squeeze %dma_start3A_30 : memref<1x!tpu.dma_semaphore, #tpu.memory_space<semaphore_mem>> -> memref<!tpu.dma_semaphore, #tpu.memory_space<semaphore_mem>>
    tpu.enqueue_indirect_dma source(%dma_start3A_29 : memref<100000x128xf32, #tpu.memory_space<hbm>>) target(%dma_start3A_23 : memref<64x128xf32, #tpu.memory_space<vmem>>) offsets(%dma_start3A_26 : memref<64xi32, #tpu.memory_space<vmem>>) semaphore(%dma_start3A_31 : memref<!tpu.dma_semaphore, #tpu.memory_space<semaphore_mem>>)
    %dma_start3A_32 = arith.constant 2 : i32
    %dma_start3A_33 = arith.constant 2 : i32
    %dma_start3A_34 = arith.constant 2 : i32
    %dma_start3A_35 = arith.constant 0 : i32
    %dma_start3A_36 = arith.constant 0 : i32
    %dma_start3A_37 = tpu.memref_slice %arg6[%dma_start3A_33, %dma_start3A_35, %dma_start3A_36] : memref<10x64x128xf32, #tpu.memory_space<vmem>> -> memref<1x64x128xf32, #tpu.memory_space<vmem>>
    %dma_start3A_38 = tpu.memref_squeeze %dma_start3A_37 : memref<1x64x128xf32, #tpu.memory_space<vmem>> -> memref<64x128xf32, #tpu.memory_space<vmem>>
    %dma_start3A_39 = arith.constant 0 : i32
    %dma_start3A_40 = tpu.memref_slice %arg5[%dma_start3A_32, %dma_start3A_39] : memref<100x64xi32, #tpu.memory_space<vmem>> -> memref<1x64xi32, #tpu.memory_space<vmem>>
    %dma_start3A_41 = tpu.memref_squeeze %dma_start3A_40 : memref<1x64xi32, #tpu.memory_space<vmem>> -> memref<64xi32, #tpu.memory_space<vmem>>
    %dma_start3A_42 = arith.constant 0 : i32
    %dma_start3A_43 = arith.constant 0 : i32
    %dma_start3A_44 = tpu.memref_slice %arg2[%dma_start3A_42, %dma_start3A_43] : memref<100000x128xf32, #tpu.memory_space<hbm>> -> memref<100000x128xf32, #tpu.memory_space<hbm>>
    %dma_start3A_45 = tpu.memref_slice %arg7[%dma_start3A_34] : memref<10x!tpu.dma_semaphore, #tpu.memory_space<semaphore_mem>> -> memref<1x!tpu.dma_semaphore, #tpu.memory_space<semaphore_mem>>
    %dma_start3A_46 = tpu.memref_squeeze %dma_start3A_45 : memref<1x!tpu.dma_semaphore, #tpu.memory_space<semaphore_mem>> -> memref<!tpu.dma_semaphore, #tpu.memory_space<semaphore_mem>>
    tpu.enqueue_indirect_dma source(%dma_start3A_44 : memref<100000x128xf32, #tpu.memory_space<hbm>>) target(%dma_start3A_38 : memref<64x128xf32, #tpu.memory_space<vmem>>) offsets(%dma_start3A_41 : memref<64xi32, #tpu.memory_space<vmem>>) semaphore(%dma_start3A_46 : memref<!tpu.dma_semaphore, #tpu.memory_space<semaphore_mem>>)
    %dma_start3A_47 = arith.constant 3 : i32
    %dma_start3A_48 = arith.constant 3 : i32
    %dma_start3A_49 = arith.constant 3 : i32
    %dma_start3A_50 = arith.constant 0 : i32
    %dma_start3A_51 = arith.constant 0 : i32
    %dma_start3A_52 = tpu.memref_slice %arg6[%dma_start3A_48, %dma_start3A_50, %dma_start3A_51] : memref<10x64x128xf32, #tpu.memory_space<vmem>> -> memref<1x64x128xf32, #tpu.memory_space<vmem>>
    %dma_start3A_53 = tpu.memref_squeeze %dma_start3A_52 : memref<1x64x128xf32, #tpu.memory_space<vmem>> -> memref<64x128xf32, #tpu.memory_space<vmem>>
    %dma_start3A_54 = arith.constant 0 : i32
    %dma_start3A_55 = tpu.memref_slice %arg5[%dma_start3A_47, %dma_start3A_54] : memref<100x64xi32, #tpu.memory_space<vmem>> -> memref<1x64xi32, #tpu.memory_space<vmem>>
    %dma_start3A_56 = tpu.memref_squeeze %dma_start3A_55 : memref<1x64xi32, #tpu.memory_space<vmem>> -> memref<64xi32, #tpu.memory_space<vmem>>
    %dma_start3A_57 = arith.constant 0 : i32
    %dma_start3A_58 = arith.constant 0 : i32
    %dma_start3A_59 = tpu.memref_slice %arg2[%dma_start3A_57, %dma_start3A_58] : memref<100000x128xf32, #tpu.memory_space<hbm>> -> memref<100000x128xf32, #tpu.memory_space<hbm>>
    %dma_start3A_60 = tpu.memref_slice %arg7[%dma_start3A_49] : memref<10x!tpu.dma_semaphore, #tpu.memory_space<semaphore_mem>> -> memref<1x!tpu.dma_semaphore, #tpu.memory_space<semaphore_mem>>
    %dma_start3A_61 = tpu.memref_squeeze %dma_start3A_60 : memref<1x!tpu.dma_semaphore, #tpu.memory_space<semaphore_mem>> -> memref<!tpu.dma_semaphore, #tpu.memory_space<semaphore_mem>>
    tpu.enqueue_indirect_dma source(%dma_start3A_59 : memref<100000x128xf32, #tpu.memory_space<hbm>>) target(%dma_start3A_53 : memref<64x128xf32, #tpu.memory_space<vmem>>) offsets(%dma_start3A_56 : memref<64xi32, #tpu.memory_space<vmem>>) semaphore(%dma_start3A_61 : memref<!tpu.dma_semaphore, #tpu.memory_space<semaphore_mem>>)
    %dma_start3A_62 = arith.constant 4 : i32
    %dma_start3A_63 = arith.constant 4 : i32
    %dma_start3A_64 = arith.constant 4 : i32
    %dma_start3A_65 = arith.constant 0 : i32
    %dma_start3A_66 = arith.constant 0 : i32
    %dma_start3A_67 = tpu.memref_slice %arg6[%dma_start3A_63, %dma_start3A_65, %dma_start3A_66] : memref<10x64x128xf32, #tpu.memory_space<vmem>> -> memref<1x64x128xf32, #tpu.memory_space<vmem>>
    %dma_start3A_68 = tpu.memref_squeeze %dma_start3A_67 : memref<1x64x128xf32, #tpu.memory_space<vmem>> -> memref<64x128xf32, #tpu.memory_space<vmem>>
    %dma_start3A_69 = arith.constant 0 : i32
    %dma_start3A_70 = tpu.memref_slice %arg5[%dma_start3A_62, %dma_start3A_69] : memref<100x64xi32, #tpu.memory_space<vmem>> -> memref<1x64xi32, #tpu.memory_space<vmem>>
    %dma_start3A_71 = tpu.memref_squeeze %dma_start3A_70 : memref<1x64xi32, #tpu.memory_space<vmem>> -> memref<64xi32, #tpu.memory_space<vmem>>
    %dma_start3A_72 = arith.constant 0 : i32
    %dma_start3A_73 = arith.constant 0 : i32
    %dma_start3A_74 = tpu.memref_slice %arg2[%dma_start3A_72, %dma_start3A_73] : memref<100000x128xf32, #tpu.memory_space<hbm>> -> memref<100000x128xf32, #tpu.memory_space<hbm>>
    %dma_start3A_75 = tpu.memref_slice %arg7[%dma_start3A_64] : memref<10x!tpu.dma_semaphore, #tpu.memory_space<semaphore_mem>> -> memref<1x!tpu.dma_semaphore, #tpu.memory_space<semaphore_mem>>
    %dma_start3A_76 = tpu.memref_squeeze %dma_start3A_75 : memref<1x!tpu.dma_semaphore, #tpu.memory_space<semaphore_mem>> -> memref<!tpu.dma_semaphore, #tpu.memory_space<semaphore_mem>>
    tpu.enqueue_indirect_dma source(%dma_start3A_74 : memref<100000x128xf32, #tpu.memory_space<hbm>>) target(%dma_start3A_68 : memref<64x128xf32, #tpu.memory_space<vmem>>) offsets(%dma_start3A_71 : memref<64xi32, #tpu.memory_space<vmem>>) semaphore(%dma_start3A_76 : memref<!tpu.dma_semaphore, #tpu.memory_space<semaphore_mem>>)
    %dma_start3A_77 = arith.constant 5 : i32
    %dma_start3A_78 = arith.constant 5 : i32
    %dma_start3A_79 = arith.constant 5 : i32
    %dma_start3A_80 = arith.constant 0 : i32
    %dma_start3A_81 = arith.constant 0 : i32
    %dma_start3A_82 = tpu.memref_slice %arg6[%dma_start3A_78, %dma_start3A_80, %dma_start3A_81] : memref<10x64x128xf32, #tpu.memory_space<vmem>> -> memref<1x64x128xf32, #tpu.memory_space<vmem>>
    %dma_start3A_83 = tpu.memref_squeeze %dma_start3A_82 : memref<1x64x128xf32, #tpu.memory_space<vmem>> -> memref<64x128xf32, #tpu.memory_space<vmem>>
    %dma_start3A_84 = arith.constant 0 : i32
    %dma_start3A_85 = tpu.memref_slice %arg5[%dma_start3A_77, %dma_start3A_84] : memref<100x64xi32, #tpu.memory_space<vmem>> -> memref<1x64xi32, #tpu.memory_space<vmem>>
    %dma_start3A_86 = tpu.memref_squeeze %dma_start3A_85 : memref<1x64xi32, #tpu.memory_space<vmem>> -> memref<64xi32, #tpu.memory_space<vmem>>
    %dma_start3A_87 = arith.constant 0 : i32
    %dma_start3A_88 = arith.constant 0 : i32
    %dma_start3A_89 = tpu.memref_slice %arg2[%dma_start3A_87, %dma_start3A_88] : memref<100000x128xf32, #tpu.memory_space<hbm>> -> memref<100000x128xf32, #tpu.memory_space<hbm>>
    %dma_start3A_90 = tpu.memref_slice %arg7[%dma_start3A_79] : memref<10x!tpu.dma_semaphore, #tpu.memory_space<semaphore_mem>> -> memref<1x!tpu.dma_semaphore, #tpu.memory_space<semaphore_mem>>
    %dma_start3A_91 = tpu.memref_squeeze %dma_start3A_90 : memref<1x!tpu.dma_semaphore, #tpu.memory_space<semaphore_mem>> -> memref<!tpu.dma_semaphore, #tpu.memory_space<semaphore_mem>>
    tpu.enqueue_indirect_dma source(%dma_start3A_89 : memref<100000x128xf32, #tpu.memory_space<hbm>>) target(%dma_start3A_83 : memref<64x128xf32, #tpu.memory_space<vmem>>) offsets(%dma_start3A_86 : memref<64xi32, #tpu.memory_space<vmem>>) semaphore(%dma_start3A_91 : memref<!tpu.dma_semaphore, #tpu.memory_space<semaphore_mem>>)
    %dma_start3A_92 = arith.constant 6 : i32
    %dma_start3A_93 = arith.constant 6 : i32
    %dma_start3A_94 = arith.constant 6 : i32
    %dma_start3A_95 = arith.constant 0 : i32
    %dma_start3A_96 = arith.constant 0 : i32
    %dma_start3A_97 = tpu.memref_slice %arg6[%dma_start3A_93, %dma_start3A_95, %dma_start3A_96] : memref<10x64x128xf32, #tpu.memory_space<vmem>> -> memref<1x64x128xf32, #tpu.memory_space<vmem>>
    %dma_start3A_98 = tpu.memref_squeeze %dma_start3A_97 : memref<1x64x128xf32, #tpu.memory_space<vmem>> -> memref<64x128xf32, #tpu.memory_space<vmem>>
    %dma_start3A_99 = arith.constant 0 : i32
    %dma_start3A_100 = tpu.memref_slice %arg5[%dma_start3A_92, %dma_start3A_99] : memref<100x64xi32, #tpu.memory_space<vmem>> -> memref<1x64xi32, #tpu.memory_space<vmem>>
    %dma_start3A_101 = tpu.memref_squeeze %dma_start3A_100 : memref<1x64xi32, #tpu.memory_space<vmem>> -> memref<64xi32, #tpu.memory_space<vmem>>
    %dma_start3A_102 = arith.constant 0 : i32
    %dma_start3A_103 = arith.constant 0 : i32
    %dma_start3A_104 = tpu.memref_slice %arg2[%dma_start3A_102, %dma_start3A_103] : memref<100000x128xf32, #tpu.memory_space<hbm>> -> memref<100000x128xf32, #tpu.memory_space<hbm>>
    %dma_start3A_105 = tpu.memref_slice %arg7[%dma_start3A_94] : memref<10x!tpu.dma_semaphore, #tpu.memory_space<semaphore_mem>> -> memref<1x!tpu.dma_semaphore, #tpu.memory_space<semaphore_mem>>
    %dma_start3A_106 = tpu.memref_squeeze %dma_start3A_105 : memref<1x!tpu.dma_semaphore, #tpu.memory_space<semaphore_mem>> -> memref<!tpu.dma_semaphore, #tpu.memory_space<semaphore_mem>>
    tpu.enqueue_indirect_dma source(%dma_start3A_104 : memref<100000x128xf32, #tpu.memory_space<hbm>>) target(%dma_start3A_98 : memref<64x128xf32, #tpu.memory_space<vmem>>) offsets(%dma_start3A_101 : memref<64xi32, #tpu.memory_space<vmem>>) semaphore(%dma_start3A_106 : memref<!tpu.dma_semaphore, #tpu.memory_space<semaphore_mem>>)
    %dma_start3A_107 = arith.constant 7 : i32
    %dma_start3A_108 = arith.constant 7 : i32
    %dma_start3A_109 = arith.constant 7 : i32
    %dma_start3A_110 = arith.constant 0 : i32
    %dma_start3A_111 = arith.constant 0 : i32
    %dma_start3A_112 = tpu.memref_slice %arg6[%dma_start3A_108, %dma_start3A_110, %dma_start3A_111] : memref<10x64x128xf32, #tpu.memory_space<vmem>> -> memref<1x64x128xf32, #tpu.memory_space<vmem>>
    %dma_start3A_113 = tpu.memref_squeeze %dma_start3A_112 : memref<1x64x128xf32, #tpu.memory_space<vmem>> -> memref<64x128xf32, #tpu.memory_space<vmem>>
    %dma_start3A_114 = arith.constant 0 : i32
    %dma_start3A_115 = tpu.memref_slice %arg5[%dma_start3A_107, %dma_start3A_114] : memref<100x64xi32, #tpu.memory_space<vmem>> -> memref<1x64xi32, #tpu.memory_space<vmem>>
    %dma_start3A_116 = tpu.memref_squeeze %dma_start3A_115 : memref<1x64xi32, #tpu.memory_space<vmem>> -> memref<64xi32, #tpu.memory_space<vmem>>
    %dma_start3A_117 = arith.constant 0 : i32
    %dma_start3A_118 = arith.constant 0 : i32
    %dma_start3A_119 = tpu.memref_slice %arg2[%dma_start3A_117, %dma_start3A_118] : memref<100000x128xf32, #tpu.memory_space<hbm>> -> memref<100000x128xf32, #tpu.memory_space<hbm>>
    %dma_start3A_120 = tpu.memref_slice %arg7[%dma_start3A_109] : memref<10x!tpu.dma_semaphore, #tpu.memory_space<semaphore_mem>> -> memref<1x!tpu.dma_semaphore, #tpu.memory_space<semaphore_mem>>
    %dma_start3A_121 = tpu.memref_squeeze %dma_start3A_120 : memref<1x!tpu.dma_semaphore, #tpu.memory_space<semaphore_mem>> -> memref<!tpu.dma_semaphore, #tpu.memory_space<semaphore_mem>>
    tpu.enqueue_indirect_dma source(%dma_start3A_119 : memref<100000x128xf32, #tpu.memory_space<hbm>>) target(%dma_start3A_113 : memref<64x128xf32, #tpu.memory_space<vmem>>) offsets(%dma_start3A_116 : memref<64xi32, #tpu.memory_space<vmem>>) semaphore(%dma_start3A_121 : memref<!tpu.dma_semaphore, #tpu.memory_space<semaphore_mem>>)
    %dma_start3A_122 = arith.constant 8 : i32
    %dma_start3A_123 = arith.constant 8 : i32
    %dma_start3A_124 = arith.constant 8 : i32
    %dma_start3A_125 = arith.constant 0 : i32
    %dma_start3A_126 = arith.constant 0 : i32
    %dma_start3A_127 = tpu.memref_slice %arg6[%dma_start3A_123, %dma_start3A_125, %dma_start3A_126] : memref<10x64x128xf32, #tpu.memory_space<vmem>> -> memref<1x64x128xf32, #tpu.memory_space<vmem>>
    %dma_start3A_128 = tpu.memref_squeeze %dma_start3A_127 : memref<1x64x128xf32, #tpu.memory_space<vmem>> -> memref<64x128xf32, #tpu.memory_space<vmem>>
    %dma_start3A_129 = arith.constant 0 : i32
    %dma_start3A_130 = tpu.memref_slice %arg5[%dma_start3A_122, %dma_start3A_129] : memref<100x64xi32, #tpu.memory_space<vmem>> -> memref<1x64xi32, #tpu.memory_space<vmem>>
    %dma_start3A_131 = tpu.memref_squeeze %dma_start3A_130 : memref<1x64xi32, #tpu.memory_space<vmem>> -> memref<64xi32, #tpu.memory_space<vmem>>
    %dma_start3A_132 = arith.constant 0 : i32
    %dma_start3A_133 = arith.constant 0 : i32
    %dma_start3A_134 = tpu.memref_slice %arg2[%dma_start3A_132, %dma_start3A_133] : memref<100000x128xf32, #tpu.memory_space<hbm>> -> memref<100000x128xf32, #tpu.memory_space<hbm>>
    %dma_start3A_135 = tpu.memref_slice %arg7[%dma_start3A_124] : memref<10x!tpu.dma_semaphore, #tpu.memory_space<semaphore_mem>> -> memref<1x!tpu.dma_semaphore, #tpu.memory_space<semaphore_mem>>
    %dma_start3A_136 = tpu.memref_squeeze %dma_start3A_135 : memref<1x!tpu.dma_semaphore, #tpu.memory_space<semaphore_mem>> -> memref<!tpu.dma_semaphore, #tpu.memory_space<semaphore_mem>>
    tpu.enqueue_indirect_dma source(%dma_start3A_134 : memref<100000x128xf32, #tpu.memory_space<hbm>>) target(%dma_start3A_128 : memref<64x128xf32, #tpu.memory_space<vmem>>) offsets(%dma_start3A_131 : memref<64xi32, #tpu.memory_space<vmem>>) semaphore(%dma_start3A_136 : memref<!tpu.dma_semaphore, #tpu.memory_space<semaphore_mem>>)
    %dma_start3A_137 = arith.constant 9 : i32
    %dma_start3A_138 = arith.constant 9 : i32
    %dma_start3A_139 = arith.constant 9 : i32
    %dma_start3A_140 = arith.constant 0 : i32
    %dma_start3A_141 = arith.constant 0 : i32
    %dma_start3A_142 = tpu.memref_slice %arg6[%dma_start3A_138, %dma_start3A_140, %dma_start3A_141] : memref<10x64x128xf32, #tpu.memory_space<vmem>> -> memref<1x64x128xf32, #tpu.memory_space<vmem>>
    %dma_start3A_143 = tpu.memref_squeeze %dma_start3A_142 : memref<1x64x128xf32, #tpu.memory_space<vmem>> -> memref<64x128xf32, #tpu.memory_space<vmem>>
    %dma_start3A_144 = arith.constant 0 : i32
    %dma_start3A_145 = tpu.memref_slice %arg5[%dma_start3A_137, %dma_start3A_144] : memref<100x64xi32, #tpu.memory_space<vmem>> -> memref<1x64xi32, #tpu.memory_space<vmem>>
    %dma_start3A_146 = tpu.memref_squeeze %dma_start3A_145 : memref<1x64xi32, #tpu.memory_space<vmem>> -> memref<64xi32, #tpu.memory_space<vmem>>
    %dma_start3A_147 = arith.constant 0 : i32
    %dma_start3A_148 = arith.constant 0 : i32
    %dma_start3A_149 = tpu.memref_slice %arg2[%dma_start3A_147, %dma_start3A_148] : memref<100000x128xf32, #tpu.memory_space<hbm>> -> memref<100000x128xf32, #tpu.memory_space<hbm>>
    %dma_start3A_150 = tpu.memref_slice %arg7[%dma_start3A_139] : memref<10x!tpu.dma_semaphore, #tpu.memory_space<semaphore_mem>> -> memref<1x!tpu.dma_semaphore, #tpu.memory_space<semaphore_mem>>
    %dma_start3A_151 = tpu.memref_squeeze %dma_start3A_150 : memref<1x!tpu.dma_semaphore, #tpu.memory_space<semaphore_mem>> -> memref<!tpu.dma_semaphore, #tpu.memory_space<semaphore_mem>>
    tpu.enqueue_indirect_dma source(%dma_start3A_149 : memref<100000x128xf32, #tpu.memory_space<hbm>>) target(%dma_start3A_143 : memref<64x128xf32, #tpu.memory_space<vmem>>) offsets(%dma_start3A_146 : memref<64xi32, #tpu.memory_space<vmem>>) semaphore(%dma_start3A_151 : memref<!tpu.dma_semaphore, #tpu.memory_space<semaphore_mem>>)
    %scan3A = arith.constant 0 : i32
    %scan3A_152 = arith.constant 0 : i32
    %scan3A_153 = arith.constant 10 : i32
    %scan3A_154 = arith.addi %scan3A_152, %scan3A_153 : i32
    %scan3A_155 = arith.constant 1 : i32
    scf.for %scan3A_336 = %scan3A_152 to %scan3A_154 step %scan3A_155  : i32 {
      %mul3A_337 = arith.constant 10 : i32
      %mul3A_338 = arith.muli %scan3A_336, %mul3A_337 : i32
      %add3A_339 = arith.constant 0 : i32
      %add3A_340 = arith.addi %mul3A_338, %add3A_339 : i32
      %dma_wait3A_341 = arith.constant 0 : i32
      %dma_wait3A_342 = arith.constant 0 : i32
      %dma_wait3A_343 = arith.constant 0 : i32
      %dma_wait3A_344 = arith.constant 0 : i32
      %dma_wait3A_345 = tpu.memref_slice %arg6[%dma_wait3A_341, %dma_wait3A_343, %dma_wait3A_344] : memref<10x64x128xf32, #tpu.memory_space<vmem>> -> memref<1x64x128xf32, #tpu.memory_space<vmem>>
      %dma_wait3A_346 = tpu.memref_squeeze %dma_wait3A_345 : memref<1x64x128xf32, #tpu.memory_space<vmem>> -> memref<64x128xf32, #tpu.memory_space<vmem>>
      %dma_wait3A_347 = arith.constant 0 : i32
      %dma_wait3A_348 = tpu.memref_slice %arg5[%add3A_340, %dma_wait3A_347] : memref<100x64xi32, #tpu.memory_space<vmem>> -> memref<1x64xi32, #tpu.memory_space<vmem>>
      %dma_wait3A_349 = tpu.memref_squeeze %dma_wait3A_348 : memref<1x64xi32, #tpu.memory_space<vmem>> -> memref<64xi32, #tpu.memory_space<vmem>>
      %dma_wait3A_350 = arith.constant 0 : i32
      %dma_wait3A_351 = arith.constant 0 : i32
      %dma_wait3A_352 = tpu.memref_slice %arg2[%dma_wait3A_350, %dma_wait3A_351] : memref<100000x128xf32, #tpu.memory_space<hbm>> -> memref<100000x128xf32, #tpu.memory_space<hbm>>
      %dma_wait3A_353 = tpu.memref_slice %arg7[%dma_wait3A_342] : memref<10x!tpu.dma_semaphore, #tpu.memory_space<semaphore_mem>> -> memref<1x!tpu.dma_semaphore, #tpu.memory_space<semaphore_mem>>
      %dma_wait3A_354 = tpu.memref_squeeze %dma_wait3A_353 : memref<1x!tpu.dma_semaphore, #tpu.memory_space<semaphore_mem>> -> memref<!tpu.dma_semaphore, #tpu.memory_space<semaphore_mem>>
      tpu.wait_indirect_dma semaphore(%dma_wait3A_354 : memref<!tpu.dma_semaphore, #tpu.memory_space<semaphore_mem>>) src(%dma_wait3A_352 : memref<100000x128xf32, #tpu.memory_space<hbm>>) dst(%dma_wait3A_346 : memref<64x128xf32, #tpu.memory_space<vmem>>)
      %mul3A_355 = arith.constant 64 : i32
      %mul3A_356 = arith.muli %add3A_340, %mul3A_355 : i32
      %add3A_357 = arith.addi %mul3A_2, %mul3A_356 : i32
      %dma_start3A_358 = arith.constant 0 : i32
      %dma_start3A_359 = arith.constant 0 : i32
      %dma_start3A_360 = arith.constant 0 : i32
      %dma_start3A_361 = arith.constant 0 : i32
      %dma_start3A_362 = tpu.memref_slice %arg6[%dma_start3A_358, %dma_start3A_360, %dma_start3A_361] : memref<10x64x128xf32, #tpu.memory_space<vmem>> -> memref<1x64x128xf32, #tpu.memory_space<vmem>>
      %dma_start3A_363 = tpu.memref_squeeze %dma_start3A_362 : memref<1x64x128xf32, #tpu.memory_space<vmem>> -> memref<64x128xf32, #tpu.memory_space<vmem>>
      %dma_start3A_364 = arith.constant 0 : i32
      %dma_start3A_365 = tpu.memref_slice %arg4[%add3A_357, %dma_start3A_364] : memref<204800x128xf32, #tpu.memory_space<hbm>> -> memref<64x128xf32, #tpu.memory_space<hbm>>
      %dma_start3A_366 = tpu.memref_slice %arg8[%dma_start3A_359] : memref<10x!tpu.dma_semaphore, #tpu.memory_space<semaphore_mem>> -> memref<1x!tpu.dma_semaphore, #tpu.memory_space<semaphore_mem>>
      %dma_start3A_367 = tpu.memref_squeeze %dma_start3A_366 : memref<1x!tpu.dma_semaphore, #tpu.memory_space<semaphore_mem>> -> memref<!tpu.dma_semaphore, #tpu.memory_space<semaphore_mem>>
      %dma_start3A_368 = arith.constant 0 : i32
      %dma_start3A_369 = tpu.memref_slice %arg4[%add3A_357, %dma_start3A_368] : memref<204800x128xf32, #tpu.memory_space<hbm>> -> memref<64x128xf32, #tpu.memory_space<hbm>>
      %dma_start3A_370 = arith.constant 0 : i32
      %dma_start3A_371 = arith.constant 0 : i32
      %dma_start3A_372 = tpu.memref_slice %arg6[%dma_start3A_358, %dma_start3A_370, %dma_start3A_371] : memref<10x64x128xf32, #tpu.memory_space<vmem>> -> memref<1x64x128xf32, #tpu.memory_space<vmem>>
      %dma_start3A_373 = tpu.memref_squeeze %dma_start3A_372 : memref<1x64x128xf32, #tpu.memory_space<vmem>> -> memref<64x128xf32, #tpu.memory_space<vmem>>
      tpu.enqueue_dma source(%dma_start3A_373 : memref<64x128xf32, #tpu.memory_space<vmem>>) target(%dma_start3A_369 : memref<64x128xf32, #tpu.memory_space<hbm>>) target_semaphore(%dma_start3A_367 : memref<!tpu.dma_semaphore, #tpu.memory_space<semaphore_mem>>)
      %lt3A = arith.constant 9 : i32
      %lt3A_374 = arith.cmpi slt, %scan3A_336, %lt3A : i32
      %convert_element_type3A = arith.extui %lt3A_374 : i1 to i32
      %cond3A = arith.constant 0 : i32
      %cond3A_375 = arith.cmpi ne, %convert_element_type3A, %cond3A : i32
      scf.if %cond3A_375 {
        %mul3A_754 = arith.constant 64 : i32
        %mul3A_755 = arith.muli %add3A_340, %mul3A_754 : i32
        %add3A_756 = arith.addi %mul3A_2, %mul3A_755 : i32
        %dma_wait3A_757 = arith.constant 0 : i32
        %dma_wait3A_758 = arith.constant 0 : i32
        %dma_wait3A_759 = arith.constant 0 : i32
        %dma_wait3A_760 = arith.constant 0 : i32
        %dma_wait3A_761 = tpu.memref_slice %arg6[%dma_wait3A_757, %dma_wait3A_759, %dma_wait3A_760] : memref<10x64x128xf32, #tpu.memory_space<vmem>> -> memref<1x64x128xf32, #tpu.memory_space<vmem>>
        %dma_wait3A_762 = tpu.memref_squeeze %dma_wait3A_761 : memref<1x64x128xf32, #tpu.memory_space<vmem>> -> memref<64x128xf32, #tpu.memory_space<vmem>>
        %dma_wait3A_763 = arith.constant 0 : i32
        %dma_wait3A_764 = tpu.memref_slice %arg4[%add3A_756, %dma_wait3A_763] : memref<204800x128xf32, #tpu.memory_space<hbm>> -> memref<64x128xf32, #tpu.memory_space<hbm>>
        %dma_wait3A_765 = tpu.memref_slice %arg8[%dma_wait3A_758] : memref<10x!tpu.dma_semaphore, #tpu.memory_space<semaphore_mem>> -> memref<1x!tpu.dma_semaphore, #tpu.memory_space<semaphore_mem>>
        %dma_wait3A_766 = tpu.memref_squeeze %dma_wait3A_765 : memref<1x!tpu.dma_semaphore, #tpu.memory_space<semaphore_mem>> -> memref<!tpu.dma_semaphore, #tpu.memory_space<semaphore_mem>>
        %dma_wait3A_767 = arith.constant 0 : i32
        %dma_wait3A_768 = tpu.memref_slice %arg4[%add3A_756, %dma_wait3A_767] : memref<204800x128xf32, #tpu.memory_space<hbm>> -> memref<64x128xf32, #tpu.memory_space<hbm>>
        %dma_wait3A_769 = arith.constant 0 : i32
        %dma_wait3A_770 = arith.constant 0 : i32
        %dma_wait3A_771 = tpu.memref_slice %arg6[%dma_wait3A_757, %dma_wait3A_769, %dma_wait3A_770] : memref<10x64x128xf32, #tpu.memory_space<vmem>> -> memref<1x64x128xf32, #tpu.memory_space<vmem>>
        %dma_wait3A_772 = tpu.memref_squeeze %dma_wait3A_771 : memref<1x64x128xf32, #tpu.memory_space<vmem>> -> memref<64x128xf32, #tpu.memory_space<vmem>>
        tpu.wait_dma2 semaphore(%dma_wait3A_766 : memref<!tpu.dma_semaphore, #tpu.memory_space<semaphore_mem>>) src(%dma_wait3A_772 : memref<64x128xf32, #tpu.memory_space<vmem>>) dst(%dma_wait3A_768 : memref<64x128xf32, #tpu.memory_space<hbm>>)
        %add3A_773 = arith.constant 10 : i32
        %add3A_774 = arith.addi %add3A_340, %add3A_773 : i32
        %dma_start3A_775 = arith.constant 0 : i32
        %dma_start3A_776 = arith.constant 0 : i32
        %dma_start3A_777 = arith.constant 0 : i32
        %dma_start3A_778 = arith.constant 0 : i32
        %dma_start3A_779 = tpu.memref_slice %arg6[%dma_start3A_775, %dma_start3A_777, %dma_start3A_778] : memref<10x64x128xf32, #tpu.memory_space<vmem>> -> memref<1x64x128xf32, #tpu.memory_space<vmem>>
        %dma_start3A_780 = tpu.memref_squeeze %dma_start3A_779 : memref<1x64x128xf32, #tpu.memory_space<vmem>> -> memref<64x128xf32, #tpu.memory_space<vmem>>
        %dma_start3A_781 = arith.constant 0 : i32
        %dma_start3A_782 = tpu.memref_slice %arg5[%add3A_774, %dma_start3A_781] : memref<100x64xi32, #tpu.memory_space<vmem>> -> memref<1x64xi32, #tpu.memory_space<vmem>>
        %dma_start3A_783 = tpu.memref_squeeze %dma_start3A_782 : memref<1x64xi32, #tpu.memory_space<vmem>> -> memref<64xi32, #tpu.memory_space<vmem>>
        %dma_start3A_784 = arith.constant 0 : i32
        %dma_start3A_785 = arith.constant 0 : i32
        %dma_start3A_786 = tpu.memref_slice %arg2[%dma_start3A_784, %dma_start3A_785] : memref<100000x128xf32, #tpu.memory_space<hbm>> -> memref<100000x128xf32, #tpu.memory_space<hbm>>
        %dma_start3A_787 = tpu.memref_slice %arg7[%dma_start3A_776] : memref<10x!tpu.dma_semaphore, #tpu.memory_space<semaphore_mem>> -> memref<1x!tpu.dma_semaphore, #tpu.memory_space<semaphore_mem>>
        %dma_start3A_788 = tpu.memref_squeeze %dma_start3A_787 : memref<1x!tpu.dma_semaphore, #tpu.memory_space<semaphore_mem>> -> memref<!tpu.dma_semaphore, #tpu.memory_space<semaphore_mem>>
        tpu.enqueue_indirect_dma source(%dma_start3A_786 : memref<100000x128xf32, #tpu.memory_space<hbm>>) target(%dma_start3A_780 : memref<64x128xf32, #tpu.memory_space<vmem>>) offsets(%dma_start3A_783 : memref<64xi32, #tpu.memory_space<vmem>>) semaphore(%dma_start3A_788 : memref<!tpu.dma_semaphore, #tpu.memory_space<semaphore_mem>>)
      } else {
      }
      %mul3A_376 = arith.constant 10 : i32
      %mul3A_377 = arith.muli %scan3A_336, %mul3A_376 : i32
      %add3A_378 = arith.constant 1 : i32
      %add3A_379 = arith.addi %mul3A_377, %add3A_378 : i32
      %dma_wait3A_380 = arith.constant 1 : i32
      %dma_wait3A_381 = arith.constant 1 : i32
      %dma_wait3A_382 = arith.constant 0 : i32
      %dma_wait3A_383 = arith.constant 0 : i32
      %dma_wait3A_384 = tpu.memref_slice %arg6[%dma_wait3A_380, %dma_wait3A_382, %dma_wait3A_383] : memref<10x64x128xf32, #tpu.memory_space<vmem>> -> memref<1x64x128xf32, #tpu.memory_space<vmem>>
      %dma_wait3A_385 = tpu.memref_squeeze %dma_wait3A_384 : memref<1x64x128xf32, #tpu.memory_space<vmem>> -> memref<64x128xf32, #tpu.memory_space<vmem>>
      %dma_wait3A_386 = arith.constant 0 : i32
      %dma_wait3A_387 = tpu.memref_slice %arg5[%add3A_379, %dma_wait3A_386] : memref<100x64xi32, #tpu.memory_space<vmem>> -> memref<1x64xi32, #tpu.memory_space<vmem>>
      %dma_wait3A_388 = tpu.memref_squeeze %dma_wait3A_387 : memref<1x64xi32, #tpu.memory_space<vmem>> -> memref<64xi32, #tpu.memory_space<vmem>>
      %dma_wait3A_389 = arith.constant 0 : i32
      %dma_wait3A_390 = arith.constant 0 : i32
      %dma_wait3A_391 = tpu.memref_slice %arg2[%dma_wait3A_389, %dma_wait3A_390] : memref<100000x128xf32, #tpu.memory_space<hbm>> -> memref<100000x128xf32, #tpu.memory_space<hbm>>
      %dma_wait3A_392 = tpu.memref_slice %arg7[%dma_wait3A_381] : memref<10x!tpu.dma_semaphore, #tpu.memory_space<semaphore_mem>> -> memref<1x!tpu.dma_semaphore, #tpu.memory_space<semaphore_mem>>
      %dma_wait3A_393 = tpu.memref_squeeze %dma_wait3A_392 : memref<1x!tpu.dma_semaphore, #tpu.memory_space<semaphore_mem>> -> memref<!tpu.dma_semaphore, #tpu.memory_space<semaphore_mem>>
      tpu.wait_indirect_dma semaphore(%dma_wait3A_393 : memref<!tpu.dma_semaphore, #tpu.memory_space<semaphore_mem>>) src(%dma_wait3A_391 : memref<100000x128xf32, #tpu.memory_space<hbm>>) dst(%dma_wait3A_385 : memref<64x128xf32, #tpu.memory_space<vmem>>)
      %mul3A_394 = arith.constant 64 : i32
      %mul3A_395 = arith.muli %add3A_379, %mul3A_394 : i32
      %add3A_396 = arith.addi %mul3A_2, %mul3A_395 : i32
      %dma_start3A_397 = arith.constant 1 : i32
      %dma_start3A_398 = arith.constant 1 : i32
      %dma_start3A_399 = arith.constant 0 : i32
      %dma_start3A_400 = arith.constant 0 : i32
      %dma_start3A_401 = tpu.memref_slice %arg6[%dma_start3A_397, %dma_start3A_399, %dma_start3A_400] : memref<10x64x128xf32, #tpu.memory_space<vmem>> -> memref<1x64x128xf32, #tpu.memory_space<vmem>>
      %dma_start3A_402 = tpu.memref_squeeze %dma_start3A_401 : memref<1x64x128xf32, #tpu.memory_space<vmem>> -> memref<64x128xf32, #tpu.memory_space<vmem>>
      %dma_start3A_403 = arith.constant 0 : i32
      %dma_start3A_404 = tpu.memref_slice %arg4[%add3A_396, %dma_start3A_403] : memref<204800x128xf32, #tpu.memory_space<hbm>> -> memref<64x128xf32, #tpu.memory_space<hbm>>
      %dma_start3A_405 = tpu.memref_slice %arg8[%dma_start3A_398] : memref<10x!tpu.dma_semaphore, #tpu.memory_space<semaphore_mem>> -> memref<1x!tpu.dma_semaphore, #tpu.memory_space<semaphore_mem>>
      %dma_start3A_406 = tpu.memref_squeeze %dma_start3A_405 : memref<1x!tpu.dma_semaphore, #tpu.memory_space<semaphore_mem>> -> memref<!tpu.dma_semaphore, #tpu.memory_space<semaphore_mem>>
      %dma_start3A_407 = arith.constant 0 : i32
      %dma_start3A_408 = tpu.memref_slice %arg4[%add3A_396, %dma_start3A_407] : memref<204800x128xf32, #tpu.memory_space<hbm>> -> memref<64x128xf32, #tpu.memory_space<hbm>>
      %dma_start3A_409 = arith.constant 0 : i32
      %dma_start3A_410 = arith.constant 0 : i32
      %dma_start3A_411 = tpu.memref_slice %arg6[%dma_start3A_397, %dma_start3A_409, %dma_start3A_410] : memref<10x64x128xf32, #tpu.memory_space<vmem>> -> memref<1x64x128xf32, #tpu.memory_space<vmem>>
      %dma_start3A_412 = tpu.memref_squeeze %dma_start3A_411 : memref<1x64x128xf32, #tpu.memory_space<vmem>> -> memref<64x128xf32, #tpu.memory_space<vmem>>
      tpu.enqueue_dma source(%dma_start3A_412 : memref<64x128xf32, #tpu.memory_space<vmem>>) target(%dma_start3A_408 : memref<64x128xf32, #tpu.memory_space<hbm>>) target_semaphore(%dma_start3A_406 : memref<!tpu.dma_semaphore, #tpu.memory_space<semaphore_mem>>)
      %lt3A_413 = arith.constant 9 : i32
      %lt3A_414 = arith.cmpi slt, %scan3A_336, %lt3A_413 : i32
      %convert_element_type3A_415 = arith.extui %lt3A_414 : i1 to i32
      %cond3A_416 = arith.constant 0 : i32
      %cond3A_417 = arith.cmpi ne, %convert_element_type3A_415, %cond3A_416 : i32
      scf.if %cond3A_417 {
        %mul3A_754 = arith.constant 64 : i32
        %mul3A_755 = arith.muli %add3A_379, %mul3A_754 : i32
        %add3A_756 = arith.addi %mul3A_2, %mul3A_755 : i32
        %dma_wait3A_757 = arith.constant 1 : i32
        %dma_wait3A_758 = arith.constant 1 : i32
        %dma_wait3A_759 = arith.constant 0 : i32
        %dma_wait3A_760 = arith.constant 0 : i32
        %dma_wait3A_761 = tpu.memref_slice %arg6[%dma_wait3A_757, %dma_wait3A_759, %dma_wait3A_760] : memref<10x64x128xf32, #tpu.memory_space<vmem>> -> memref<1x64x128xf32, #tpu.memory_space<vmem>>
        %dma_wait3A_762 = tpu.memref_squeeze %dma_wait3A_761 : memref<1x64x128xf32, #tpu.memory_space<vmem>> -> memref<64x128xf32, #tpu.memory_space<vmem>>
        %dma_wait3A_763 = arith.constant 0 : i32
        %dma_wait3A_764 = tpu.memref_slice %arg4[%add3A_756, %dma_wait3A_763] : memref<204800x128xf32, #tpu.memory_space<hbm>> -> memref<64x128xf32, #tpu.memory_space<hbm>>
        %dma_wait3A_765 = tpu.memref_slice %arg8[%dma_wait3A_758] : memref<10x!tpu.dma_semaphore, #tpu.memory_space<semaphore_mem>> -> memref<1x!tpu.dma_semaphore, #tpu.memory_space<semaphore_mem>>
        %dma_wait3A_766 = tpu.memref_squeeze %dma_wait3A_765 : memref<1x!tpu.dma_semaphore, #tpu.memory_space<semaphore_mem>> -> memref<!tpu.dma_semaphore, #tpu.memory_space<semaphore_mem>>
        %dma_wait3A_767 = arith.constant 0 : i32
        %dma_wait3A_768 = tpu.memref_slice %arg4[%add3A_756, %dma_wait3A_767] : memref<204800x128xf32, #tpu.memory_space<hbm>> -> memref<64x128xf32, #tpu.memory_space<hbm>>
        %dma_wait3A_769 = arith.constant 0 : i32
        %dma_wait3A_770 = arith.constant 0 : i32
        %dma_wait3A_771 = tpu.memref_slice %arg6[%dma_wait3A_757, %dma_wait3A_769, %dma_wait3A_770] : memref<10x64x128xf32, #tpu.memory_space<vmem>> -> memref<1x64x128xf32, #tpu.memory_space<vmem>>
        %dma_wait3A_772 = tpu.memref_squeeze %dma_wait3A_771 : memref<1x64x128xf32, #tpu.memory_space<vmem>> -> memref<64x128xf32, #tpu.memory_space<vmem>>
        tpu.wait_dma2 semaphore(%dma_wait3A_766 : memref<!tpu.dma_semaphore, #tpu.memory_space<semaphore_mem>>) src(%dma_wait3A_772 : memref<64x128xf32, #tpu.memory_space<vmem>>) dst(%dma_wait3A_768 : memref<64x128xf32, #tpu.memory_space<hbm>>)
        %add3A_773 = arith.constant 10 : i32
        %add3A_774 = arith.addi %add3A_379, %add3A_773 : i32
        %dma_start3A_775 = arith.constant 1 : i32
        %dma_start3A_776 = arith.constant 1 : i32
        %dma_start3A_777 = arith.constant 0 : i32
        %dma_start3A_778 = arith.constant 0 : i32
        %dma_start3A_779 = tpu.memref_slice %arg6[%dma_start3A_775, %dma_start3A_777, %dma_start3A_778] : memref<10x64x128xf32, #tpu.memory_space<vmem>> -> memref<1x64x128xf32, #tpu.memory_space<vmem>>
        %dma_start3A_780 = tpu.memref_squeeze %dma_start3A_779 : memref<1x64x128xf32, #tpu.memory_space<vmem>> -> memref<64x128xf32, #tpu.memory_space<vmem>>
        %dma_start3A_781 = arith.constant 0 : i32
        %dma_start3A_782 = tpu.memref_slice %arg5[%add3A_774, %dma_start3A_781] : memref<100x64xi32, #tpu.memory_space<vmem>> -> memref<1x64xi32, #tpu.memory_space<vmem>>
        %dma_start3A_783 = tpu.memref_squeeze %dma_start3A_782 : memref<1x64xi32, #tpu.memory_space<vmem>> -> memref<64xi32, #tpu.memory_space<vmem>>
        %dma_start3A_784 = arith.constant 0 : i32
        %dma_start3A_785 = arith.constant 0 : i32
        %dma_start3A_786 = tpu.memref_slice %arg2[%dma_start3A_784, %dma_start3A_785] : memref<100000x128xf32, #tpu.memory_space<hbm>> -> memref<100000x128xf32, #tpu.memory_space<hbm>>
        %dma_start3A_787 = tpu.memref_slice %arg7[%dma_start3A_776] : memref<10x!tpu.dma_semaphore, #tpu.memory_space<semaphore_mem>> -> memref<1x!tpu.dma_semaphore, #tpu.memory_space<semaphore_mem>>
        %dma_start3A_788 = tpu.memref_squeeze %dma_start3A_787 : memref<1x!tpu.dma_semaphore, #tpu.memory_space<semaphore_mem>> -> memref<!tpu.dma_semaphore, #tpu.memory_space<semaphore_mem>>
        tpu.enqueue_indirect_dma source(%dma_start3A_786 : memref<100000x128xf32, #tpu.memory_space<hbm>>) target(%dma_start3A_780 : memref<64x128xf32, #tpu.memory_space<vmem>>) offsets(%dma_start3A_783 : memref<64xi32, #tpu.memory_space<vmem>>) semaphore(%dma_start3A_788 : memref<!tpu.dma_semaphore, #tpu.memory_space<semaphore_mem>>)
      } else {
      }
      %mul3A_418 = arith.constant 10 : i32
      %mul3A_419 = arith.muli %scan3A_336, %mul3A_418 : i32
      %add3A_420 = arith.constant 2 : i32
      %add3A_421 = arith.addi %mul3A_419, %add3A_420 : i32
      %dma_wait3A_422 = arith.constant 2 : i32
      %dma_wait3A_423 = arith.constant 2 : i32
      %dma_wait3A_424 = arith.constant 0 : i32
      %dma_wait3A_425 = arith.constant 0 : i32
      %dma_wait3A_426 = tpu.memref_slice %arg6[%dma_wait3A_422, %dma_wait3A_424, %dma_wait3A_425] : memref<10x64x128xf32, #tpu.memory_space<vmem>> -> memref<1x64x128xf32, #tpu.memory_space<vmem>>
      %dma_wait3A_427 = tpu.memref_squeeze %dma_wait3A_426 : memref<1x64x128xf32, #tpu.memory_space<vmem>> -> memref<64x128xf32, #tpu.memory_space<vmem>>
      %dma_wait3A_428 = arith.constant 0 : i32
      %dma_wait3A_429 = tpu.memref_slice %arg5[%add3A_421, %dma_wait3A_428] : memref<100x64xi32, #tpu.memory_space<vmem>> -> memref<1x64xi32, #tpu.memory_space<vmem>>
      %dma_wait3A_430 = tpu.memref_squeeze %dma_wait3A_429 : memref<1x64xi32, #tpu.memory_space<vmem>> -> memref<64xi32, #tpu.memory_space<vmem>>
      %dma_wait3A_431 = arith.constant 0 : i32
      %dma_wait3A_432 = arith.constant 0 : i32
      %dma_wait3A_433 = tpu.memref_slice %arg2[%dma_wait3A_431, %dma_wait3A_432] : memref<100000x128xf32, #tpu.memory_space<hbm>> -> memref<100000x128xf32, #tpu.memory_space<hbm>>
      %dma_wait3A_434 = tpu.memref_slice %arg7[%dma_wait3A_423] : memref<10x!tpu.dma_semaphore, #tpu.memory_space<semaphore_mem>> -> memref<1x!tpu.dma_semaphore, #tpu.memory_space<semaphore_mem>>
      %dma_wait3A_435 = tpu.memref_squeeze %dma_wait3A_434 : memref<1x!tpu.dma_semaphore, #tpu.memory_space<semaphore_mem>> -> memref<!tpu.dma_semaphore, #tpu.memory_space<semaphore_mem>>
      tpu.wait_indirect_dma semaphore(%dma_wait3A_435 : memref<!tpu.dma_semaphore, #tpu.memory_space<semaphore_mem>>) src(%dma_wait3A_433 : memref<100000x128xf32, #tpu.memory_space<hbm>>) dst(%dma_wait3A_427 : memref<64x128xf32, #tpu.memory_space<vmem>>)
      %mul3A_436 = arith.constant 64 : i32
      %mul3A_437 = arith.muli %add3A_421, %mul3A_436 : i32
      %add3A_438 = arith.addi %mul3A_2, %mul3A_437 : i32
      %dma_start3A_439 = arith.constant 2 : i32
      %dma_start3A_440 = arith.constant 2 : i32
      %dma_start3A_441 = arith.constant 0 : i32
      %dma_start3A_442 = arith.constant 0 : i32
      %dma_start3A_443 = tpu.memref_slice %arg6[%dma_start3A_439, %dma_start3A_441, %dma_start3A_442] : memref<10x64x128xf32, #tpu.memory_space<vmem>> -> memref<1x64x128xf32, #tpu.memory_space<vmem>>
      %dma_start3A_444 = tpu.memref_squeeze %dma_start3A_443 : memref<1x64x128xf32, #tpu.memory_space<vmem>> -> memref<64x128xf32, #tpu.memory_space<vmem>>
      %dma_start3A_445 = arith.constant 0 : i32
      %dma_start3A_446 = tpu.memref_slice %arg4[%add3A_438, %dma_start3A_445] : memref<204800x128xf32, #tpu.memory_space<hbm>> -> memref<64x128xf32, #tpu.memory_space<hbm>>
      %dma_start3A_447 = tpu.memref_slice %arg8[%dma_start3A_440] : memref<10x!tpu.dma_semaphore, #tpu.memory_space<semaphore_mem>> -> memref<1x!tpu.dma_semaphore, #tpu.memory_space<semaphore_mem>>
      %dma_start3A_448 = tpu.memref_squeeze %dma_start3A_447 : memref<1x!tpu.dma_semaphore, #tpu.memory_space<semaphore_mem>> -> memref<!tpu.dma_semaphore, #tpu.memory_space<semaphore_mem>>
      %dma_start3A_449 = arith.constant 0 : i32
      %dma_start3A_450 = tpu.memref_slice %arg4[%add3A_438, %dma_start3A_449] : memref<204800x128xf32, #tpu.memory_space<hbm>> -> memref<64x128xf32, #tpu.memory_space<hbm>>
      %dma_start3A_451 = arith.constant 0 : i32
      %dma_start3A_452 = arith.constant 0 : i32
      %dma_start3A_453 = tpu.memref_slice %arg6[%dma_start3A_439, %dma_start3A_451, %dma_start3A_452] : memref<10x64x128xf32, #tpu.memory_space<vmem>> -> memref<1x64x128xf32, #tpu.memory_space<vmem>>
      %dma_start3A_454 = tpu.memref_squeeze %dma_start3A_453 : memref<1x64x128xf32, #tpu.memory_space<vmem>> -> memref<64x128xf32, #tpu.memory_space<vmem>>
      tpu.enqueue_dma source(%dma_start3A_454 : memref<64x128xf32, #tpu.memory_space<vmem>>) target(%dma_start3A_450 : memref<64x128xf32, #tpu.memory_space<hbm>>) target_semaphore(%dma_start3A_448 : memref<!tpu.dma_semaphore, #tpu.memory_space<semaphore_mem>>)
      %lt3A_455 = arith.constant 9 : i32
      %lt3A_456 = arith.cmpi slt, %scan3A_336, %lt3A_455 : i32
      %convert_element_type3A_457 = arith.extui %lt3A_456 : i1 to i32
      %cond3A_458 = arith.constant 0 : i32
      %cond3A_459 = arith.cmpi ne, %convert_element_type3A_457, %cond3A_458 : i32
      scf.if %cond3A_459 {
        %mul3A_754 = arith.constant 64 : i32
        %mul3A_755 = arith.muli %add3A_421, %mul3A_754 : i32
        %add3A_756 = arith.addi %mul3A_2, %mul3A_755 : i32
        %dma_wait3A_757 = arith.constant 2 : i32
        %dma_wait3A_758 = arith.constant 2 : i32
        %dma_wait3A_759 = arith.constant 0 : i32
        %dma_wait3A_760 = arith.constant 0 : i32
        %dma_wait3A_761 = tpu.memref_slice %arg6[%dma_wait3A_757, %dma_wait3A_759, %dma_wait3A_760] : memref<10x64x128xf32, #tpu.memory_space<vmem>> -> memref<1x64x128xf32, #tpu.memory_space<vmem>>
        %dma_wait3A_762 = tpu.memref_squeeze %dma_wait3A_761 : memref<1x64x128xf32, #tpu.memory_space<vmem>> -> memref<64x128xf32, #tpu.memory_space<vmem>>
        %dma_wait3A_763 = arith.constant 0 : i32
        %dma_wait3A_764 = tpu.memref_slice %arg4[%add3A_756, %dma_wait3A_763] : memref<204800x128xf32, #tpu.memory_space<hbm>> -> memref<64x128xf32, #tpu.memory_space<hbm>>
        %dma_wait3A_765 = tpu.memref_slice %arg8[%dma_wait3A_758] : memref<10x!tpu.dma_semaphore, #tpu.memory_space<semaphore_mem>> -> memref<1x!tpu.dma_semaphore, #tpu.memory_space<semaphore_mem>>
        %dma_wait3A_766 = tpu.memref_squeeze %dma_wait3A_765 : memref<1x!tpu.dma_semaphore, #tpu.memory_space<semaphore_mem>> -> memref<!tpu.dma_semaphore, #tpu.memory_space<semaphore_mem>>
        %dma_wait3A_767 = arith.constant 0 : i32
        %dma_wait3A_768 = tpu.memref_slice %arg4[%add3A_756, %dma_wait3A_767] : memref<204800x128xf32, #tpu.memory_space<hbm>> -> memref<64x128xf32, #tpu.memory_space<hbm>>
        %dma_wait3A_769 = arith.constant 0 : i32
        %dma_wait3A_770 = arith.constant 0 : i32
        %dma_wait3A_771 = tpu.memref_slice %arg6[%dma_wait3A_757, %dma_wait3A_769, %dma_wait3A_770] : memref<10x64x128xf32, #tpu.memory_space<vmem>> -> memref<1x64x128xf32, #tpu.memory_space<vmem>>
        %dma_wait3A_772 = tpu.memref_squeeze %dma_wait3A_771 : memref<1x64x128xf32, #tpu.memory_space<vmem>> -> memref<64x128xf32, #tpu.memory_space<vmem>>
        tpu.wait_dma2 semaphore(%dma_wait3A_766 : memref<!tpu.dma_semaphore, #tpu.memory_space<semaphore_mem>>) src(%dma_wait3A_772 : memref<64x128xf32, #tpu.memory_space<vmem>>) dst(%dma_wait3A_768 : memref<64x128xf32, #tpu.memory_space<hbm>>)
        %add3A_773 = arith.constant 10 : i32
        %add3A_774 = arith.addi %add3A_421, %add3A_773 : i32
        %dma_start3A_775 = arith.constant 2 : i32
        %dma_start3A_776 = arith.constant 2 : i32
        %dma_start3A_777 = arith.constant 0 : i32
        %dma_start3A_778 = arith.constant 0 : i32
        %dma_start3A_779 = tpu.memref_slice %arg6[%dma_start3A_775, %dma_start3A_777, %dma_start3A_778] : memref<10x64x128xf32, #tpu.memory_space<vmem>> -> memref<1x64x128xf32, #tpu.memory_space<vmem>>
        %dma_start3A_780 = tpu.memref_squeeze %dma_start3A_779 : memref<1x64x128xf32, #tpu.memory_space<vmem>> -> memref<64x128xf32, #tpu.memory_space<vmem>>
        %dma_start3A_781 = arith.constant 0 : i32
        %dma_start3A_782 = tpu.memref_slice %arg5[%add3A_774, %dma_start3A_781] : memref<100x64xi32, #tpu.memory_space<vmem>> -> memref<1x64xi32, #tpu.memory_space<vmem>>
        %dma_start3A_783 = tpu.memref_squeeze %dma_start3A_782 : memref<1x64xi32, #tpu.memory_space<vmem>> -> memref<64xi32, #tpu.memory_space<vmem>>
        %dma_start3A_784 = arith.constant 0 : i32
        %dma_start3A_785 = arith.constant 0 : i32
        %dma_start3A_786 = tpu.memref_slice %arg2[%dma_start3A_784, %dma_start3A_785] : memref<100000x128xf32, #tpu.memory_space<hbm>> -> memref<100000x128xf32, #tpu.memory_space<hbm>>
        %dma_start3A_787 = tpu.memref_slice %arg7[%dma_start3A_776] : memref<10x!tpu.dma_semaphore, #tpu.memory_space<semaphore_mem>> -> memref<1x!tpu.dma_semaphore, #tpu.memory_space<semaphore_mem>>
        %dma_start3A_788 = tpu.memref_squeeze %dma_start3A_787 : memref<1x!tpu.dma_semaphore, #tpu.memory_space<semaphore_mem>> -> memref<!tpu.dma_semaphore, #tpu.memory_space<semaphore_mem>>
        tpu.enqueue_indirect_dma source(%dma_start3A_786 : memref<100000x128xf32, #tpu.memory_space<hbm>>) target(%dma_start3A_780 : memref<64x128xf32, #tpu.memory_space<vmem>>) offsets(%dma_start3A_783 : memref<64xi32, #tpu.memory_space<vmem>>) semaphore(%dma_start3A_788 : memref<!tpu.dma_semaphore, #tpu.memory_space<semaphore_mem>>)
      } else {
      }
      %mul3A_460 = arith.constant 10 : i32
      %mul3A_461 = arith.muli %scan3A_336, %mul3A_460 : i32
      %add3A_462 = arith.constant 3 : i32
      %add3A_463 = arith.addi %mul3A_461, %add3A_462 : i32
      %dma_wait3A_464 = arith.constant 3 : i32
      %dma_wait3A_465 = arith.constant 3 : i32
      %dma_wait3A_466 = arith.constant 0 : i32
      %dma_wait3A_467 = arith.constant 0 : i32
      %dma_wait3A_468 = tpu.memref_slice %arg6[%dma_wait3A_464, %dma_wait3A_466, %dma_wait3A_467] : memref<10x64x128xf32, #tpu.memory_space<vmem>> -> memref<1x64x128xf32, #tpu.memory_space<vmem>>
      %dma_wait3A_469 = tpu.memref_squeeze %dma_wait3A_468 : memref<1x64x128xf32, #tpu.memory_space<vmem>> -> memref<64x128xf32, #tpu.memory_space<vmem>>
      %dma_wait3A_470 = arith.constant 0 : i32
      %dma_wait3A_471 = tpu.memref_slice %arg5[%add3A_463, %dma_wait3A_470] : memref<100x64xi32, #tpu.memory_space<vmem>> -> memref<1x64xi32, #tpu.memory_space<vmem>>
      %dma_wait3A_472 = tpu.memref_squeeze %dma_wait3A_471 : memref<1x64xi32, #tpu.memory_space<vmem>> -> memref<64xi32, #tpu.memory_space<vmem>>
      %dma_wait3A_473 = arith.constant 0 : i32
      %dma_wait3A_474 = arith.constant 0 : i32
      %dma_wait3A_475 = tpu.memref_slice %arg2[%dma_wait3A_473, %dma_wait3A_474] : memref<100000x128xf32, #tpu.memory_space<hbm>> -> memref<100000x128xf32, #tpu.memory_space<hbm>>
      %dma_wait3A_476 = tpu.memref_slice %arg7[%dma_wait3A_465] : memref<10x!tpu.dma_semaphore, #tpu.memory_space<semaphore_mem>> -> memref<1x!tpu.dma_semaphore, #tpu.memory_space<semaphore_mem>>
      %dma_wait3A_477 = tpu.memref_squeeze %dma_wait3A_476 : memref<1x!tpu.dma_semaphore, #tpu.memory_space<semaphore_mem>> -> memref<!tpu.dma_semaphore, #tpu.memory_space<semaphore_mem>>
      tpu.wait_indirect_dma semaphore(%dma_wait3A_477 : memref<!tpu.dma_semaphore, #tpu.memory_space<semaphore_mem>>) src(%dma_wait3A_475 : memref<100000x128xf32, #tpu.memory_space<hbm>>) dst(%dma_wait3A_469 : memref<64x128xf32, #tpu.memory_space<vmem>>)
      %mul3A_478 = arith.constant 64 : i32
      %mul3A_479 = arith.muli %add3A_463, %mul3A_478 : i32
      %add3A_480 = arith.addi %mul3A_2, %mul3A_479 : i32
      %dma_start3A_481 = arith.constant 3 : i32
      %dma_start3A_482 = arith.constant 3 : i32
      %dma_start3A_483 = arith.constant 0 : i32
      %dma_start3A_484 = arith.constant 0 : i32
      %dma_start3A_485 = tpu.memref_slice %arg6[%dma_start3A_481, %dma_start3A_483, %dma_start3A_484] : memref<10x64x128xf32, #tpu.memory_space<vmem>> -> memref<1x64x128xf32, #tpu.memory_space<vmem>>
      %dma_start3A_486 = tpu.memref_squeeze %dma_start3A_485 : memref<1x64x128xf32, #tpu.memory_space<vmem>> -> memref<64x128xf32, #tpu.memory_space<vmem>>
      %dma_start3A_487 = arith.constant 0 : i32
      %dma_start3A_488 = tpu.memref_slice %arg4[%add3A_480, %dma_start3A_487] : memref<204800x128xf32, #tpu.memory_space<hbm>> -> memref<64x128xf32, #tpu.memory_space<hbm>>
      %dma_start3A_489 = tpu.memref_slice %arg8[%dma_start3A_482] : memref<10x!tpu.dma_semaphore, #tpu.memory_space<semaphore_mem>> -> memref<1x!tpu.dma_semaphore, #tpu.memory_space<semaphore_mem>>
      %dma_start3A_490 = tpu.memref_squeeze %dma_start3A_489 : memref<1x!tpu.dma_semaphore, #tpu.memory_space<semaphore_mem>> -> memref<!tpu.dma_semaphore, #tpu.memory_space<semaphore_mem>>
      %dma_start3A_491 = arith.constant 0 : i32
      %dma_start3A_492 = tpu.memref_slice %arg4[%add3A_480, %dma_start3A_491] : memref<204800x128xf32, #tpu.memory_space<hbm>> -> memref<64x128xf32, #tpu.memory_space<hbm>>
      %dma_start3A_493 = arith.constant 0 : i32
      %dma_start3A_494 = arith.constant 0 : i32
      %dma_start3A_495 = tpu.memref_slice %arg6[%dma_start3A_481, %dma_start3A_493, %dma_start3A_494] : memref<10x64x128xf32, #tpu.memory_space<vmem>> -> memref<1x64x128xf32, #tpu.memory_space<vmem>>
      %dma_start3A_496 = tpu.memref_squeeze %dma_start3A_495 : memref<1x64x128xf32, #tpu.memory_space<vmem>> -> memref<64x128xf32, #tpu.memory_space<vmem>>
      tpu.enqueue_dma source(%dma_start3A_496 : memref<64x128xf32, #tpu.memory_space<vmem>>) target(%dma_start3A_492 : memref<64x128xf32, #tpu.memory_space<hbm>>) target_semaphore(%dma_start3A_490 : memref<!tpu.dma_semaphore, #tpu.memory_space<semaphore_mem>>)
      %lt3A_497 = arith.constant 9 : i32
      %lt3A_498 = arith.cmpi slt, %scan3A_336, %lt3A_497 : i32
      %convert_element_type3A_499 = arith.extui %lt3A_498 : i1 to i32
      %cond3A_500 = arith.constant 0 : i32
      %cond3A_501 = arith.cmpi ne, %convert_element_type3A_499, %cond3A_500 : i32
      scf.if %cond3A_501 {
        %mul3A_754 = arith.constant 64 : i32
        %mul3A_755 = arith.muli %add3A_463, %mul3A_754 : i32
        %add3A_756 = arith.addi %mul3A_2, %mul3A_755 : i32
        %dma_wait3A_757 = arith.constant 3 : i32
        %dma_wait3A_758 = arith.constant 3 : i32
        %dma_wait3A_759 = arith.constant 0 : i32
        %dma_wait3A_760 = arith.constant 0 : i32
        %dma_wait3A_761 = tpu.memref_slice %arg6[%dma_wait3A_757, %dma_wait3A_759, %dma_wait3A_760] : memref<10x64x128xf32, #tpu.memory_space<vmem>> -> memref<1x64x128xf32, #tpu.memory_space<vmem>>
        %dma_wait3A_762 = tpu.memref_squeeze %dma_wait3A_761 : memref<1x64x128xf32, #tpu.memory_space<vmem>> -> memref<64x128xf32, #tpu.memory_space<vmem>>
        %dma_wait3A_763 = arith.constant 0 : i32
        %dma_wait3A_764 = tpu.memref_slice %arg4[%add3A_756, %dma_wait3A_763] : memref<204800x128xf32, #tpu.memory_space<hbm>> -> memref<64x128xf32, #tpu.memory_space<hbm>>
        %dma_wait3A_765 = tpu.memref_slice %arg8[%dma_wait3A_758] : memref<10x!tpu.dma_semaphore, #tpu.memory_space<semaphore_mem>> -> memref<1x!tpu.dma_semaphore, #tpu.memory_space<semaphore_mem>>
        %dma_wait3A_766 = tpu.memref_squeeze %dma_wait3A_765 : memref<1x!tpu.dma_semaphore, #tpu.memory_space<semaphore_mem>> -> memref<!tpu.dma_semaphore, #tpu.memory_space<semaphore_mem>>
        %dma_wait3A_767 = arith.constant 0 : i32
        %dma_wait3A_768 = tpu.memref_slice %arg4[%add3A_756, %dma_wait3A_767] : memref<204800x128xf32, #tpu.memory_space<hbm>> -> memref<64x128xf32, #tpu.memory_space<hbm>>
        %dma_wait3A_769 = arith.constant 0 : i32
        %dma_wait3A_770 = arith.constant 0 : i32
        %dma_wait3A_771 = tpu.memref_slice %arg6[%dma_wait3A_757, %dma_wait3A_769, %dma_wait3A_770] : memref<10x64x128xf32, #tpu.memory_space<vmem>> -> memref<1x64x128xf32, #tpu.memory_space<vmem>>
        %dma_wait3A_772 = tpu.memref_squeeze %dma_wait3A_771 : memref<1x64x128xf32, #tpu.memory_space<vmem>> -> memref<64x128xf32, #tpu.memory_space<vmem>>
        tpu.wait_dma2 semaphore(%dma_wait3A_766 : memref<!tpu.dma_semaphore, #tpu.memory_space<semaphore_mem>>) src(%dma_wait3A_772 : memref<64x128xf32, #tpu.memory_space<vmem>>) dst(%dma_wait3A_768 : memref<64x128xf32, #tpu.memory_space<hbm>>)
        %add3A_773 = arith.constant 10 : i32
        %add3A_774 = arith.addi %add3A_463, %add3A_773 : i32
        %dma_start3A_775 = arith.constant 3 : i32
        %dma_start3A_776 = arith.constant 3 : i32
        %dma_start3A_777 = arith.constant 0 : i32
        %dma_start3A_778 = arith.constant 0 : i32
        %dma_start3A_779 = tpu.memref_slice %arg6[%dma_start3A_775, %dma_start3A_777, %dma_start3A_778] : memref<10x64x128xf32, #tpu.memory_space<vmem>> -> memref<1x64x128xf32, #tpu.memory_space<vmem>>
        %dma_start3A_780 = tpu.memref_squeeze %dma_start3A_779 : memref<1x64x128xf32, #tpu.memory_space<vmem>> -> memref<64x128xf32, #tpu.memory_space<vmem>>
        %dma_start3A_781 = arith.constant 0 : i32
        %dma_start3A_782 = tpu.memref_slice %arg5[%add3A_774, %dma_start3A_781] : memref<100x64xi32, #tpu.memory_space<vmem>> -> memref<1x64xi32, #tpu.memory_space<vmem>>
        %dma_start3A_783 = tpu.memref_squeeze %dma_start3A_782 : memref<1x64xi32, #tpu.memory_space<vmem>> -> memref<64xi32, #tpu.memory_space<vmem>>
        %dma_start3A_784 = arith.constant 0 : i32
        %dma_start3A_785 = arith.constant 0 : i32
        %dma_start3A_786 = tpu.memref_slice %arg2[%dma_start3A_784, %dma_start3A_785] : memref<100000x128xf32, #tpu.memory_space<hbm>> -> memref<100000x128xf32, #tpu.memory_space<hbm>>
        %dma_start3A_787 = tpu.memref_slice %arg7[%dma_start3A_776] : memref<10x!tpu.dma_semaphore, #tpu.memory_space<semaphore_mem>> -> memref<1x!tpu.dma_semaphore, #tpu.memory_space<semaphore_mem>>
        %dma_start3A_788 = tpu.memref_squeeze %dma_start3A_787 : memref<1x!tpu.dma_semaphore, #tpu.memory_space<semaphore_mem>> -> memref<!tpu.dma_semaphore, #tpu.memory_space<semaphore_mem>>
        tpu.enqueue_indirect_dma source(%dma_start3A_786 : memref<100000x128xf32, #tpu.memory_space<hbm>>) target(%dma_start3A_780 : memref<64x128xf32, #tpu.memory_space<vmem>>) offsets(%dma_start3A_783 : memref<64xi32, #tpu.memory_space<vmem>>) semaphore(%dma_start3A_788 : memref<!tpu.dma_semaphore, #tpu.memory_space<semaphore_mem>>)
      } else {
      }
      %mul3A_502 = arith.constant 10 : i32
      %mul3A_503 = arith.muli %scan3A_336, %mul3A_502 : i32
      %add3A_504 = arith.constant 4 : i32
      %add3A_505 = arith.addi %mul3A_503, %add3A_504 : i32
      %dma_wait3A_506 = arith.constant 4 : i32
      %dma_wait3A_507 = arith.constant 4 : i32
      %dma_wait3A_508 = arith.constant 0 : i32
      %dma_wait3A_509 = arith.constant 0 : i32
      %dma_wait3A_510 = tpu.memref_slice %arg6[%dma_wait3A_506, %dma_wait3A_508, %dma_wait3A_509] : memref<10x64x128xf32, #tpu.memory_space<vmem>> -> memref<1x64x128xf32, #tpu.memory_space<vmem>>
      %dma_wait3A_511 = tpu.memref_squeeze %dma_wait3A_510 : memref<1x64x128xf32, #tpu.memory_space<vmem>> -> memref<64x128xf32, #tpu.memory_space<vmem>>
      %dma_wait3A_512 = arith.constant 0 : i32
      %dma_wait3A_513 = tpu.memref_slice %arg5[%add3A_505, %dma_wait3A_512] : memref<100x64xi32, #tpu.memory_space<vmem>> -> memref<1x64xi32, #tpu.memory_space<vmem>>
      %dma_wait3A_514 = tpu.memref_squeeze %dma_wait3A_513 : memref<1x64xi32, #tpu.memory_space<vmem>> -> memref<64xi32, #tpu.memory_space<vmem>>
      %dma_wait3A_515 = arith.constant 0 : i32
      %dma_wait3A_516 = arith.constant 0 : i32
      %dma_wait3A_517 = tpu.memref_slice %arg2[%dma_wait3A_515, %dma_wait3A_516] : memref<100000x128xf32, #tpu.memory_space<hbm>> -> memref<100000x128xf32, #tpu.memory_space<hbm>>
      %dma_wait3A_518 = tpu.memref_slice %arg7[%dma_wait3A_507] : memref<10x!tpu.dma_semaphore, #tpu.memory_space<semaphore_mem>> -> memref<1x!tpu.dma_semaphore, #tpu.memory_space<semaphore_mem>>
      %dma_wait3A_519 = tpu.memref_squeeze %dma_wait3A_518 : memref<1x!tpu.dma_semaphore, #tpu.memory_space<semaphore_mem>> -> memref<!tpu.dma_semaphore, #tpu.memory_space<semaphore_mem>>
      tpu.wait_indirect_dma semaphore(%dma_wait3A_519 : memref<!tpu.dma_semaphore, #tpu.memory_space<semaphore_mem>>) src(%dma_wait3A_517 : memref<100000x128xf32, #tpu.memory_space<hbm>>) dst(%dma_wait3A_511 : memref<64x128xf32, #tpu.memory_space<vmem>>)
      %mul3A_520 = arith.constant 64 : i32
      %mul3A_521 = arith.muli %add3A_505, %mul3A_520 : i32
      %add3A_522 = arith.addi %mul3A_2, %mul3A_521 : i32
      %dma_start3A_523 = arith.constant 4 : i32
      %dma_start3A_524 = arith.constant 4 : i32
      %dma_start3A_525 = arith.constant 0 : i32
      %dma_start3A_526 = arith.constant 0 : i32
      %dma_start3A_527 = tpu.memref_slice %arg6[%dma_start3A_523, %dma_start3A_525, %dma_start3A_526] : memref<10x64x128xf32, #tpu.memory_space<vmem>> -> memref<1x64x128xf32, #tpu.memory_space<vmem>>
      %dma_start3A_528 = tpu.memref_squeeze %dma_start3A_527 : memref<1x64x128xf32, #tpu.memory_space<vmem>> -> memref<64x128xf32, #tpu.memory_space<vmem>>
      %dma_start3A_529 = arith.constant 0 : i32
      %dma_start3A_530 = tpu.memref_slice %arg4[%add3A_522, %dma_start3A_529] : memref<204800x128xf32, #tpu.memory_space<hbm>> -> memref<64x128xf32, #tpu.memory_space<hbm>>
      %dma_start3A_531 = tpu.memref_slice %arg8[%dma_start3A_524] : memref<10x!tpu.dma_semaphore, #tpu.memory_space<semaphore_mem>> -> memref<1x!tpu.dma_semaphore, #tpu.memory_space<semaphore_mem>>
      %dma_start3A_532 = tpu.memref_squeeze %dma_start3A_531 : memref<1x!tpu.dma_semaphore, #tpu.memory_space<semaphore_mem>> -> memref<!tpu.dma_semaphore, #tpu.memory_space<semaphore_mem>>
      %dma_start3A_533 = arith.constant 0 : i32
      %dma_start3A_534 = tpu.memref_slice %arg4[%add3A_522, %dma_start3A_533] : memref<204800x128xf32, #tpu.memory_space<hbm>> -> memref<64x128xf32, #tpu.memory_space<hbm>>
      %dma_start3A_535 = arith.constant 0 : i32
      %dma_start3A_536 = arith.constant 0 : i32
      %dma_start3A_537 = tpu.memref_slice %arg6[%dma_start3A_523, %dma_start3A_535, %dma_start3A_536] : memref<10x64x128xf32, #tpu.memory_space<vmem>> -> memref<1x64x128xf32, #tpu.memory_space<vmem>>
      %dma_start3A_538 = tpu.memref_squeeze %dma_start3A_537 : memref<1x64x128xf32, #tpu.memory_space<vmem>> -> memref<64x128xf32, #tpu.memory_space<vmem>>
      tpu.enqueue_dma source(%dma_start3A_538 : memref<64x128xf32, #tpu.memory_space<vmem>>) target(%dma_start3A_534 : memref<64x128xf32, #tpu.memory_space<hbm>>) target_semaphore(%dma_start3A_532 : memref<!tpu.dma_semaphore, #tpu.memory_space<semaphore_mem>>)
      %lt3A_539 = arith.constant 9 : i32
      %lt3A_540 = arith.cmpi slt, %scan3A_336, %lt3A_539 : i32
      %convert_element_type3A_541 = arith.extui %lt3A_540 : i1 to i32
      %cond3A_542 = arith.constant 0 : i32
      %cond3A_543 = arith.cmpi ne, %convert_element_type3A_541, %cond3A_542 : i32
      scf.if %cond3A_543 {
        %mul3A_754 = arith.constant 64 : i32
        %mul3A_755 = arith.muli %add3A_505, %mul3A_754 : i32
        %add3A_756 = arith.addi %mul3A_2, %mul3A_755 : i32
        %dma_wait3A_757 = arith.constant 4 : i32
        %dma_wait3A_758 = arith.constant 4 : i32
        %dma_wait3A_759 = arith.constant 0 : i32
        %dma_wait3A_760 = arith.constant 0 : i32
        %dma_wait3A_761 = tpu.memref_slice %arg6[%dma_wait3A_757, %dma_wait3A_759, %dma_wait3A_760] : memref<10x64x128xf32, #tpu.memory_space<vmem>> -> memref<1x64x128xf32, #tpu.memory_space<vmem>>
        %dma_wait3A_762 = tpu.memref_squeeze %dma_wait3A_761 : memref<1x64x128xf32, #tpu.memory_space<vmem>> -> memref<64x128xf32, #tpu.memory_space<vmem>>
        %dma_wait3A_763 = arith.constant 0 : i32
        %dma_wait3A_764 = tpu.memref_slice %arg4[%add3A_756, %dma_wait3A_763] : memref<204800x128xf32, #tpu.memory_space<hbm>> -> memref<64x128xf32, #tpu.memory_space<hbm>>
        %dma_wait3A_765 = tpu.memref_slice %arg8[%dma_wait3A_758] : memref<10x!tpu.dma_semaphore, #tpu.memory_space<semaphore_mem>> -> memref<1x!tpu.dma_semaphore, #tpu.memory_space<semaphore_mem>>
        %dma_wait3A_766 = tpu.memref_squeeze %dma_wait3A_765 : memref<1x!tpu.dma_semaphore, #tpu.memory_space<semaphore_mem>> -> memref<!tpu.dma_semaphore, #tpu.memory_space<semaphore_mem>>
        %dma_wait3A_767 = arith.constant 0 : i32
        %dma_wait3A_768 = tpu.memref_slice %arg4[%add3A_756, %dma_wait3A_767] : memref<204800x128xf32, #tpu.memory_space<hbm>> -> memref<64x128xf32, #tpu.memory_space<hbm>>
        %dma_wait3A_769 = arith.constant 0 : i32
        %dma_wait3A_770 = arith.constant 0 : i32
        %dma_wait3A_771 = tpu.memref_slice %arg6[%dma_wait3A_757, %dma_wait3A_769, %dma_wait3A_770] : memref<10x64x128xf32, #tpu.memory_space<vmem>> -> memref<1x64x128xf32, #tpu.memory_space<vmem>>
        %dma_wait3A_772 = tpu.memref_squeeze %dma_wait3A_771 : memref<1x64x128xf32, #tpu.memory_space<vmem>> -> memref<64x128xf32, #tpu.memory_space<vmem>>
        tpu.wait_dma2 semaphore(%dma_wait3A_766 : memref<!tpu.dma_semaphore, #tpu.memory_space<semaphore_mem>>) src(%dma_wait3A_772 : memref<64x128xf32, #tpu.memory_space<vmem>>) dst(%dma_wait3A_768 : memref<64x128xf32, #tpu.memory_space<hbm>>)
        %add3A_773 = arith.constant 10 : i32
        %add3A_774 = arith.addi %add3A_505, %add3A_773 : i32
        %dma_start3A_775 = arith.constant 4 : i32
        %dma_start3A_776 = arith.constant 4 : i32
        %dma_start3A_777 = arith.constant 0 : i32
        %dma_start3A_778 = arith.constant 0 : i32
        %dma_start3A_779 = tpu.memref_slice %arg6[%dma_start3A_775, %dma_start3A_777, %dma_start3A_778] : memref<10x64x128xf32, #tpu.memory_space<vmem>> -> memref<1x64x128xf32, #tpu.memory_space<vmem>>
        %dma_start3A_780 = tpu.memref_squeeze %dma_start3A_779 : memref<1x64x128xf32, #tpu.memory_space<vmem>> -> memref<64x128xf32, #tpu.memory_space<vmem>>
        %dma_start3A_781 = arith.constant 0 : i32
        %dma_start3A_782 = tpu.memref_slice %arg5[%add3A_774, %dma_start3A_781] : memref<100x64xi32, #tpu.memory_space<vmem>> -> memref<1x64xi32, #tpu.memory_space<vmem>>
        %dma_start3A_783 = tpu.memref_squeeze %dma_start3A_782 : memref<1x64xi32, #tpu.memory_space<vmem>> -> memref<64xi32, #tpu.memory_space<vmem>>
        %dma_start3A_784 = arith.constant 0 : i32
        %dma_start3A_785 = arith.constant 0 : i32
        %dma_start3A_786 = tpu.memref_slice %arg2[%dma_start3A_784, %dma_start3A_785] : memref<100000x128xf32, #tpu.memory_space<hbm>> -> memref<100000x128xf32, #tpu.memory_space<hbm>>
        %dma_start3A_787 = tpu.memref_slice %arg7[%dma_start3A_776] : memref<10x!tpu.dma_semaphore, #tpu.memory_space<semaphore_mem>> -> memref<1x!tpu.dma_semaphore, #tpu.memory_space<semaphore_mem>>
        %dma_start3A_788 = tpu.memref_squeeze %dma_start3A_787 : memref<1x!tpu.dma_semaphore, #tpu.memory_space<semaphore_mem>> -> memref<!tpu.dma_semaphore, #tpu.memory_space<semaphore_mem>>
        tpu.enqueue_indirect_dma source(%dma_start3A_786 : memref<100000x128xf32, #tpu.memory_space<hbm>>) target(%dma_start3A_780 : memref<64x128xf32, #tpu.memory_space<vmem>>) offsets(%dma_start3A_783 : memref<64xi32, #tpu.memory_space<vmem>>) semaphore(%dma_start3A_788 : memref<!tpu.dma_semaphore, #tpu.memory_space<semaphore_mem>>)
      } else {
      }
      %mul3A_544 = arith.constant 10 : i32
      %mul3A_545 = arith.muli %scan3A_336, %mul3A_544 : i32
      %add3A_546 = arith.constant 5 : i32
      %add3A_547 = arith.addi %mul3A_545, %add3A_546 : i32
      %dma_wait3A_548 = arith.constant 5 : i32
      %dma_wait3A_549 = arith.constant 5 : i32
      %dma_wait3A_550 = arith.constant 0 : i32
      %dma_wait3A_551 = arith.constant 0 : i32
      %dma_wait3A_552 = tpu.memref_slice %arg6[%dma_wait3A_548, %dma_wait3A_550, %dma_wait3A_551] : memref<10x64x128xf32, #tpu.memory_space<vmem>> -> memref<1x64x128xf32, #tpu.memory_space<vmem>>
      %dma_wait3A_553 = tpu.memref_squeeze %dma_wait3A_552 : memref<1x64x128xf32, #tpu.memory_space<vmem>> -> memref<64x128xf32, #tpu.memory_space<vmem>>
      %dma_wait3A_554 = arith.constant 0 : i32
      %dma_wait3A_555 = tpu.memref_slice %arg5[%add3A_547, %dma_wait3A_554] : memref<100x64xi32, #tpu.memory_space<vmem>> -> memref<1x64xi32, #tpu.memory_space<vmem>>
      %dma_wait3A_556 = tpu.memref_squeeze %dma_wait3A_555 : memref<1x64xi32, #tpu.memory_space<vmem>> -> memref<64xi32, #tpu.memory_space<vmem>>
      %dma_wait3A_557 = arith.constant 0 : i32
      %dma_wait3A_558 = arith.constant 0 : i32
      %dma_wait3A_559 = tpu.memref_slice %arg2[%dma_wait3A_557, %dma_wait3A_558] : memref<100000x128xf32, #tpu.memory_space<hbm>> -> memref<100000x128xf32, #tpu.memory_space<hbm>>
      %dma_wait3A_560 = tpu.memref_slice %arg7[%dma_wait3A_549] : memref<10x!tpu.dma_semaphore, #tpu.memory_space<semaphore_mem>> -> memref<1x!tpu.dma_semaphore, #tpu.memory_space<semaphore_mem>>
      %dma_wait3A_561 = tpu.memref_squeeze %dma_wait3A_560 : memref<1x!tpu.dma_semaphore, #tpu.memory_space<semaphore_mem>> -> memref<!tpu.dma_semaphore, #tpu.memory_space<semaphore_mem>>
      tpu.wait_indirect_dma semaphore(%dma_wait3A_561 : memref<!tpu.dma_semaphore, #tpu.memory_space<semaphore_mem>>) src(%dma_wait3A_559 : memref<100000x128xf32, #tpu.memory_space<hbm>>) dst(%dma_wait3A_553 : memref<64x128xf32, #tpu.memory_space<vmem>>)
      %mul3A_562 = arith.constant 64 : i32
      %mul3A_563 = arith.muli %add3A_547, %mul3A_562 : i32
      %add3A_564 = arith.addi %mul3A_2, %mul3A_563 : i32
      %dma_start3A_565 = arith.constant 5 : i32
      %dma_start3A_566 = arith.constant 5 : i32
      %dma_start3A_567 = arith.constant 0 : i32
      %dma_start3A_568 = arith.constant 0 : i32
      %dma_start3A_569 = tpu.memref_slice %arg6[%dma_start3A_565, %dma_start3A_567, %dma_start3A_568] : memref<10x64x128xf32, #tpu.memory_space<vmem>> -> memref<1x64x128xf32, #tpu.memory_space<vmem>>
      %dma_start3A_570 = tpu.memref_squeeze %dma_start3A_569 : memref<1x64x128xf32, #tpu.memory_space<vmem>> -> memref<64x128xf32, #tpu.memory_space<vmem>>
      %dma_start3A_571 = arith.constant 0 : i32
      %dma_start3A_572 = tpu.memref_slice %arg4[%add3A_564, %dma_start3A_571] : memref<204800x128xf32, #tpu.memory_space<hbm>> -> memref<64x128xf32, #tpu.memory_space<hbm>>
      %dma_start3A_573 = tpu.memref_slice %arg8[%dma_start3A_566] : memref<10x!tpu.dma_semaphore, #tpu.memory_space<semaphore_mem>> -> memref<1x!tpu.dma_semaphore, #tpu.memory_space<semaphore_mem>>
      %dma_start3A_574 = tpu.memref_squeeze %dma_start3A_573 : memref<1x!tpu.dma_semaphore, #tpu.memory_space<semaphore_mem>> -> memref<!tpu.dma_semaphore, #tpu.memory_space<semaphore_mem>>
      %dma_start3A_575 = arith.constant 0 : i32
      %dma_start3A_576 = tpu.memref_slice %arg4[%add3A_564, %dma_start3A_575] : memref<204800x128xf32, #tpu.memory_space<hbm>> -> memref<64x128xf32, #tpu.memory_space<hbm>>
      %dma_start3A_577 = arith.constant 0 : i32
      %dma_start3A_578 = arith.constant 0 : i32
      %dma_start3A_579 = tpu.memref_slice %arg6[%dma_start3A_565, %dma_start3A_577, %dma_start3A_578] : memref<10x64x128xf32, #tpu.memory_space<vmem>> -> memref<1x64x128xf32, #tpu.memory_space<vmem>>
      %dma_start3A_580 = tpu.memref_squeeze %dma_start3A_579 : memref<1x64x128xf32, #tpu.memory_space<vmem>> -> memref<64x128xf32, #tpu.memory_space<vmem>>
      tpu.enqueue_dma source(%dma_start3A_580 : memref<64x128xf32, #tpu.memory_space<vmem>>) target(%dma_start3A_576 : memref<64x128xf32, #tpu.memory_space<hbm>>) target_semaphore(%dma_start3A_574 : memref<!tpu.dma_semaphore, #tpu.memory_space<semaphore_mem>>)
      %lt3A_581 = arith.constant 9 : i32
      %lt3A_582 = arith.cmpi slt, %scan3A_336, %lt3A_581 : i32
      %convert_element_type3A_583 = arith.extui %lt3A_582 : i1 to i32
      %cond3A_584 = arith.constant 0 : i32
      %cond3A_585 = arith.cmpi ne, %convert_element_type3A_583, %cond3A_584 : i32
      scf.if %cond3A_585 {
        %mul3A_754 = arith.constant 64 : i32
        %mul3A_755 = arith.muli %add3A_547, %mul3A_754 : i32
        %add3A_756 = arith.addi %mul3A_2, %mul3A_755 : i32
        %dma_wait3A_757 = arith.constant 5 : i32
        %dma_wait3A_758 = arith.constant 5 : i32
        %dma_wait3A_759 = arith.constant 0 : i32
        %dma_wait3A_760 = arith.constant 0 : i32
        %dma_wait3A_761 = tpu.memref_slice %arg6[%dma_wait3A_757, %dma_wait3A_759, %dma_wait3A_760] : memref<10x64x128xf32, #tpu.memory_space<vmem>> -> memref<1x64x128xf32, #tpu.memory_space<vmem>>
        %dma_wait3A_762 = tpu.memref_squeeze %dma_wait3A_761 : memref<1x64x128xf32, #tpu.memory_space<vmem>> -> memref<64x128xf32, #tpu.memory_space<vmem>>
        %dma_wait3A_763 = arith.constant 0 : i32
        %dma_wait3A_764 = tpu.memref_slice %arg4[%add3A_756, %dma_wait3A_763] : memref<204800x128xf32, #tpu.memory_space<hbm>> -> memref<64x128xf32, #tpu.memory_space<hbm>>
        %dma_wait3A_765 = tpu.memref_slice %arg8[%dma_wait3A_758] : memref<10x!tpu.dma_semaphore, #tpu.memory_space<semaphore_mem>> -> memref<1x!tpu.dma_semaphore, #tpu.memory_space<semaphore_mem>>
        %dma_wait3A_766 = tpu.memref_squeeze %dma_wait3A_765 : memref<1x!tpu.dma_semaphore, #tpu.memory_space<semaphore_mem>> -> memref<!tpu.dma_semaphore, #tpu.memory_space<semaphore_mem>>
        %dma_wait3A_767 = arith.constant 0 : i32
        %dma_wait3A_768 = tpu.memref_slice %arg4[%add3A_756, %dma_wait3A_767] : memref<204800x128xf32, #tpu.memory_space<hbm>> -> memref<64x128xf32, #tpu.memory_space<hbm>>
        %dma_wait3A_769 = arith.constant 0 : i32
        %dma_wait3A_770 = arith.constant 0 : i32
        %dma_wait3A_771 = tpu.memref_slice %arg6[%dma_wait3A_757, %dma_wait3A_769, %dma_wait3A_770] : memref<10x64x128xf32, #tpu.memory_space<vmem>> -> memref<1x64x128xf32, #tpu.memory_space<vmem>>
        %dma_wait3A_772 = tpu.memref_squeeze %dma_wait3A_771 : memref<1x64x128xf32, #tpu.memory_space<vmem>> -> memref<64x128xf32, #tpu.memory_space<vmem>>
        tpu.wait_dma2 semaphore(%dma_wait3A_766 : memref<!tpu.dma_semaphore, #tpu.memory_space<semaphore_mem>>) src(%dma_wait3A_772 : memref<64x128xf32, #tpu.memory_space<vmem>>) dst(%dma_wait3A_768 : memref<64x128xf32, #tpu.memory_space<hbm>>)
        %add3A_773 = arith.constant 10 : i32
        %add3A_774 = arith.addi %add3A_547, %add3A_773 : i32
        %dma_start3A_775 = arith.constant 5 : i32
        %dma_start3A_776 = arith.constant 5 : i32
        %dma_start3A_777 = arith.constant 0 : i32
        %dma_start3A_778 = arith.constant 0 : i32
        %dma_start3A_779 = tpu.memref_slice %arg6[%dma_start3A_775, %dma_start3A_777, %dma_start3A_778] : memref<10x64x128xf32, #tpu.memory_space<vmem>> -> memref<1x64x128xf32, #tpu.memory_space<vmem>>
        %dma_start3A_780 = tpu.memref_squeeze %dma_start3A_779 : memref<1x64x128xf32, #tpu.memory_space<vmem>> -> memref<64x128xf32, #tpu.memory_space<vmem>>
        %dma_start3A_781 = arith.constant 0 : i32
        %dma_start3A_782 = tpu.memref_slice %arg5[%add3A_774, %dma_start3A_781] : memref<100x64xi32, #tpu.memory_space<vmem>> -> memref<1x64xi32, #tpu.memory_space<vmem>>
        %dma_start3A_783 = tpu.memref_squeeze %dma_start3A_782 : memref<1x64xi32, #tpu.memory_space<vmem>> -> memref<64xi32, #tpu.memory_space<vmem>>
        %dma_start3A_784 = arith.constant 0 : i32
        %dma_start3A_785 = arith.constant 0 : i32
        %dma_start3A_786 = tpu.memref_slice %arg2[%dma_start3A_784, %dma_start3A_785] : memref<100000x128xf32, #tpu.memory_space<hbm>> -> memref<100000x128xf32, #tpu.memory_space<hbm>>
        %dma_start3A_787 = tpu.memref_slice %arg7[%dma_start3A_776] : memref<10x!tpu.dma_semaphore, #tpu.memory_space<semaphore_mem>> -> memref<1x!tpu.dma_semaphore, #tpu.memory_space<semaphore_mem>>
        %dma_start3A_788 = tpu.memref_squeeze %dma_start3A_787 : memref<1x!tpu.dma_semaphore, #tpu.memory_space<semaphore_mem>> -> memref<!tpu.dma_semaphore, #tpu.memory_space<semaphore_mem>>
        tpu.enqueue_indirect_dma source(%dma_start3A_786 : memref<100000x128xf32, #tpu.memory_space<hbm>>) target(%dma_start3A_780 : memref<64x128xf32, #tpu.memory_space<vmem>>) offsets(%dma_start3A_783 : memref<64xi32, #tpu.memory_space<vmem>>) semaphore(%dma_start3A_788 : memref<!tpu.dma_semaphore, #tpu.memory_space<semaphore_mem>>)
      } else {
      }
      %mul3A_586 = arith.constant 10 : i32
      %mul3A_587 = arith.muli %scan3A_336, %mul3A_586 : i32
      %add3A_588 = arith.constant 6 : i32
      %add3A_589 = arith.addi %mul3A_587, %add3A_588 : i32
      %dma_wait3A_590 = arith.constant 6 : i32
      %dma_wait3A_591 = arith.constant 6 : i32
      %dma_wait3A_592 = arith.constant 0 : i32
      %dma_wait3A_593 = arith.constant 0 : i32
      %dma_wait3A_594 = tpu.memref_slice %arg6[%dma_wait3A_590, %dma_wait3A_592, %dma_wait3A_593] : memref<10x64x128xf32, #tpu.memory_space<vmem>> -> memref<1x64x128xf32, #tpu.memory_space<vmem>>
      %dma_wait3A_595 = tpu.memref_squeeze %dma_wait3A_594 : memref<1x64x128xf32, #tpu.memory_space<vmem>> -> memref<64x128xf32, #tpu.memory_space<vmem>>
      %dma_wait3A_596 = arith.constant 0 : i32
      %dma_wait3A_597 = tpu.memref_slice %arg5[%add3A_589, %dma_wait3A_596] : memref<100x64xi32, #tpu.memory_space<vmem>> -> memref<1x64xi32, #tpu.memory_space<vmem>>
      %dma_wait3A_598 = tpu.memref_squeeze %dma_wait3A_597 : memref<1x64xi32, #tpu.memory_space<vmem>> -> memref<64xi32, #tpu.memory_space<vmem>>
      %dma_wait3A_599 = arith.constant 0 : i32
      %dma_wait3A_600 = arith.constant 0 : i32
      %dma_wait3A_601 = tpu.memref_slice %arg2[%dma_wait3A_599, %dma_wait3A_600] : memref<100000x128xf32, #tpu.memory_space<hbm>> -> memref<100000x128xf32, #tpu.memory_space<hbm>>
      %dma_wait3A_602 = tpu.memref_slice %arg7[%dma_wait3A_591] : memref<10x!tpu.dma_semaphore, #tpu.memory_space<semaphore_mem>> -> memref<1x!tpu.dma_semaphore, #tpu.memory_space<semaphore_mem>>
      %dma_wait3A_603 = tpu.memref_squeeze %dma_wait3A_602 : memref<1x!tpu.dma_semaphore, #tpu.memory_space<semaphore_mem>> -> memref<!tpu.dma_semaphore, #tpu.memory_space<semaphore_mem>>
      tpu.wait_indirect_dma semaphore(%dma_wait3A_603 : memref<!tpu.dma_semaphore, #tpu.memory_space<semaphore_mem>>) src(%dma_wait3A_601 : memref<100000x128xf32, #tpu.memory_space<hbm>>) dst(%dma_wait3A_595 : memref<64x128xf32, #tpu.memory_space<vmem>>)
      %mul3A_604 = arith.constant 64 : i32
      %mul3A_605 = arith.muli %add3A_589, %mul3A_604 : i32
      %add3A_606 = arith.addi %mul3A_2, %mul3A_605 : i32
      %dma_start3A_607 = arith.constant 6 : i32
      %dma_start3A_608 = arith.constant 6 : i32
      %dma_start3A_609 = arith.constant 0 : i32
      %dma_start3A_610 = arith.constant 0 : i32
      %dma_start3A_611 = tpu.memref_slice %arg6[%dma_start3A_607, %dma_start3A_609, %dma_start3A_610] : memref<10x64x128xf32, #tpu.memory_space<vmem>> -> memref<1x64x128xf32, #tpu.memory_space<vmem>>
      %dma_start3A_612 = tpu.memref_squeeze %dma_start3A_611 : memref<1x64x128xf32, #tpu.memory_space<vmem>> -> memref<64x128xf32, #tpu.memory_space<vmem>>
      %dma_start3A_613 = arith.constant 0 : i32
      %dma_start3A_614 = tpu.memref_slice %arg4[%add3A_606, %dma_start3A_613] : memref<204800x128xf32, #tpu.memory_space<hbm>> -> memref<64x128xf32, #tpu.memory_space<hbm>>
      %dma_start3A_615 = tpu.memref_slice %arg8[%dma_start3A_608] : memref<10x!tpu.dma_semaphore, #tpu.memory_space<semaphore_mem>> -> memref<1x!tpu.dma_semaphore, #tpu.memory_space<semaphore_mem>>
      %dma_start3A_616 = tpu.memref_squeeze %dma_start3A_615 : memref<1x!tpu.dma_semaphore, #tpu.memory_space<semaphore_mem>> -> memref<!tpu.dma_semaphore, #tpu.memory_space<semaphore_mem>>
      %dma_start3A_617 = arith.constant 0 : i32
      %dma_start3A_618 = tpu.memref_slice %arg4[%add3A_606, %dma_start3A_617] : memref<204800x128xf32, #tpu.memory_space<hbm>> -> memref<64x128xf32, #tpu.memory_space<hbm>>
      %dma_start3A_619 = arith.constant 0 : i32
      %dma_start3A_620 = arith.constant 0 : i32
      %dma_start3A_621 = tpu.memref_slice %arg6[%dma_start3A_607, %dma_start3A_619, %dma_start3A_620] : memref<10x64x128xf32, #tpu.memory_space<vmem>> -> memref<1x64x128xf32, #tpu.memory_space<vmem>>
      %dma_start3A_622 = tpu.memref_squeeze %dma_start3A_621 : memref<1x64x128xf32, #tpu.memory_space<vmem>> -> memref<64x128xf32, #tpu.memory_space<vmem>>
      tpu.enqueue_dma source(%dma_start3A_622 : memref<64x128xf32, #tpu.memory_space<vmem>>) target(%dma_start3A_618 : memref<64x128xf32, #tpu.memory_space<hbm>>) target_semaphore(%dma_start3A_616 : memref<!tpu.dma_semaphore, #tpu.memory_space<semaphore_mem>>)
      %lt3A_623 = arith.constant 9 : i32
      %lt3A_624 = arith.cmpi slt, %scan3A_336, %lt3A_623 : i32
      %convert_element_type3A_625 = arith.extui %lt3A_624 : i1 to i32
      %cond3A_626 = arith.constant 0 : i32
      %cond3A_627 = arith.cmpi ne, %convert_element_type3A_625, %cond3A_626 : i32
      scf.if %cond3A_627 {
        %mul3A_754 = arith.constant 64 : i32
        %mul3A_755 = arith.muli %add3A_589, %mul3A_754 : i32
        %add3A_756 = arith.addi %mul3A_2, %mul3A_755 : i32
        %dma_wait3A_757 = arith.constant 6 : i32
        %dma_wait3A_758 = arith.constant 6 : i32
        %dma_wait3A_759 = arith.constant 0 : i32
        %dma_wait3A_760 = arith.constant 0 : i32
        %dma_wait3A_761 = tpu.memref_slice %arg6[%dma_wait3A_757, %dma_wait3A_759, %dma_wait3A_760] : memref<10x64x128xf32, #tpu.memory_space<vmem>> -> memref<1x64x128xf32, #tpu.memory_space<vmem>>
        %dma_wait3A_762 = tpu.memref_squeeze %dma_wait3A_761 : memref<1x64x128xf32, #tpu.memory_space<vmem>> -> memref<64x128xf32, #tpu.memory_space<vmem>>
        %dma_wait3A_763 = arith.constant 0 : i32
        %dma_wait3A_764 = tpu.memref_slice %arg4[%add3A_756, %dma_wait3A_763] : memref<204800x128xf32, #tpu.memory_space<hbm>> -> memref<64x128xf32, #tpu.memory_space<hbm>>
        %dma_wait3A_765 = tpu.memref_slice %arg8[%dma_wait3A_758] : memref<10x!tpu.dma_semaphore, #tpu.memory_space<semaphore_mem>> -> memref<1x!tpu.dma_semaphore, #tpu.memory_space<semaphore_mem>>
        %dma_wait3A_766 = tpu.memref_squeeze %dma_wait3A_765 : memref<1x!tpu.dma_semaphore, #tpu.memory_space<semaphore_mem>> -> memref<!tpu.dma_semaphore, #tpu.memory_space<semaphore_mem>>
        %dma_wait3A_767 = arith.constant 0 : i32
        %dma_wait3A_768 = tpu.memref_slice %arg4[%add3A_756, %dma_wait3A_767] : memref<204800x128xf32, #tpu.memory_space<hbm>> -> memref<64x128xf32, #tpu.memory_space<hbm>>
        %dma_wait3A_769 = arith.constant 0 : i32
        %dma_wait3A_770 = arith.constant 0 : i32
        %dma_wait3A_771 = tpu.memref_slice %arg6[%dma_wait3A_757, %dma_wait3A_769, %dma_wait3A_770] : memref<10x64x128xf32, #tpu.memory_space<vmem>> -> memref<1x64x128xf32, #tpu.memory_space<vmem>>
        %dma_wait3A_772 = tpu.memref_squeeze %dma_wait3A_771 : memref<1x64x128xf32, #tpu.memory_space<vmem>> -> memref<64x128xf32, #tpu.memory_space<vmem>>
        tpu.wait_dma2 semaphore(%dma_wait3A_766 : memref<!tpu.dma_semaphore, #tpu.memory_space<semaphore_mem>>) src(%dma_wait3A_772 : memref<64x128xf32, #tpu.memory_space<vmem>>) dst(%dma_wait3A_768 : memref<64x128xf32, #tpu.memory_space<hbm>>)
        %add3A_773 = arith.constant 10 : i32
        %add3A_774 = arith.addi %add3A_589, %add3A_773 : i32
        %dma_start3A_775 = arith.constant 6 : i32
        %dma_start3A_776 = arith.constant 6 : i32
        %dma_start3A_777 = arith.constant 0 : i32
        %dma_start3A_778 = arith.constant 0 : i32
        %dma_start3A_779 = tpu.memref_slice %arg6[%dma_start3A_775, %dma_start3A_777, %dma_start3A_778] : memref<10x64x128xf32, #tpu.memory_space<vmem>> -> memref<1x64x128xf32, #tpu.memory_space<vmem>>
        %dma_start3A_780 = tpu.memref_squeeze %dma_start3A_779 : memref<1x64x128xf32, #tpu.memory_space<vmem>> -> memref<64x128xf32, #tpu.memory_space<vmem>>
        %dma_start3A_781 = arith.constant 0 : i32
        %dma_start3A_782 = tpu.memref_slice %arg5[%add3A_774, %dma_start3A_781] : memref<100x64xi32, #tpu.memory_space<vmem>> -> memref<1x64xi32, #tpu.memory_space<vmem>>
        %dma_start3A_783 = tpu.memref_squeeze %dma_start3A_782 : memref<1x64xi32, #tpu.memory_space<vmem>> -> memref<64xi32, #tpu.memory_space<vmem>>
        %dma_start3A_784 = arith.constant 0 : i32
        %dma_start3A_785 = arith.constant 0 : i32
        %dma_start3A_786 = tpu.memref_slice %arg2[%dma_start3A_784, %dma_start3A_785] : memref<100000x128xf32, #tpu.memory_space<hbm>> -> memref<100000x128xf32, #tpu.memory_space<hbm>>
        %dma_start3A_787 = tpu.memref_slice %arg7[%dma_start3A_776] : memref<10x!tpu.dma_semaphore, #tpu.memory_space<semaphore_mem>> -> memref<1x!tpu.dma_semaphore, #tpu.memory_space<semaphore_mem>>
        %dma_start3A_788 = tpu.memref_squeeze %dma_start3A_787 : memref<1x!tpu.dma_semaphore, #tpu.memory_space<semaphore_mem>> -> memref<!tpu.dma_semaphore, #tpu.memory_space<semaphore_mem>>
        tpu.enqueue_indirect_dma source(%dma_start3A_786 : memref<100000x128xf32, #tpu.memory_space<hbm>>) target(%dma_start3A_780 : memref<64x128xf32, #tpu.memory_space<vmem>>) offsets(%dma_start3A_783 : memref<64xi32, #tpu.memory_space<vmem>>) semaphore(%dma_start3A_788 : memref<!tpu.dma_semaphore, #tpu.memory_space<semaphore_mem>>)
      } else {
      }
      %mul3A_628 = arith.constant 10 : i32
      %mul3A_629 = arith.muli %scan3A_336, %mul3A_628 : i32
      %add3A_630 = arith.constant 7 : i32
      %add3A_631 = arith.addi %mul3A_629, %add3A_630 : i32
      %dma_wait3A_632 = arith.constant 7 : i32
      %dma_wait3A_633 = arith.constant 7 : i32
      %dma_wait3A_634 = arith.constant 0 : i32
      %dma_wait3A_635 = arith.constant 0 : i32
      %dma_wait3A_636 = tpu.memref_slice %arg6[%dma_wait3A_632, %dma_wait3A_634, %dma_wait3A_635] : memref<10x64x128xf32, #tpu.memory_space<vmem>> -> memref<1x64x128xf32, #tpu.memory_space<vmem>>
      %dma_wait3A_637 = tpu.memref_squeeze %dma_wait3A_636 : memref<1x64x128xf32, #tpu.memory_space<vmem>> -> memref<64x128xf32, #tpu.memory_space<vmem>>
      %dma_wait3A_638 = arith.constant 0 : i32
      %dma_wait3A_639 = tpu.memref_slice %arg5[%add3A_631, %dma_wait3A_638] : memref<100x64xi32, #tpu.memory_space<vmem>> -> memref<1x64xi32, #tpu.memory_space<vmem>>
      %dma_wait3A_640 = tpu.memref_squeeze %dma_wait3A_639 : memref<1x64xi32, #tpu.memory_space<vmem>> -> memref<64xi32, #tpu.memory_space<vmem>>
      %dma_wait3A_641 = arith.constant 0 : i32
      %dma_wait3A_642 = arith.constant 0 : i32
      %dma_wait3A_643 = tpu.memref_slice %arg2[%dma_wait3A_641, %dma_wait3A_642] : memref<100000x128xf32, #tpu.memory_space<hbm>> -> memref<100000x128xf32, #tpu.memory_space<hbm>>
      %dma_wait3A_644 = tpu.memref_slice %arg7[%dma_wait3A_633] : memref<10x!tpu.dma_semaphore, #tpu.memory_space<semaphore_mem>> -> memref<1x!tpu.dma_semaphore, #tpu.memory_space<semaphore_mem>>
      %dma_wait3A_645 = tpu.memref_squeeze %dma_wait3A_644 : memref<1x!tpu.dma_semaphore, #tpu.memory_space<semaphore_mem>> -> memref<!tpu.dma_semaphore, #tpu.memory_space<semaphore_mem>>
      tpu.wait_indirect_dma semaphore(%dma_wait3A_645 : memref<!tpu.dma_semaphore, #tpu.memory_space<semaphore_mem>>) src(%dma_wait3A_643 : memref<100000x128xf32, #tpu.memory_space<hbm>>) dst(%dma_wait3A_637 : memref<64x128xf32, #tpu.memory_space<vmem>>)
      %mul3A_646 = arith.constant 64 : i32
      %mul3A_647 = arith.muli %add3A_631, %mul3A_646 : i32
      %add3A_648 = arith.addi %mul3A_2, %mul3A_647 : i32
      %dma_start3A_649 = arith.constant 7 : i32
      %dma_start3A_650 = arith.constant 7 : i32
      %dma_start3A_651 = arith.constant 0 : i32
      %dma_start3A_652 = arith.constant 0 : i32
      %dma_start3A_653 = tpu.memref_slice %arg6[%dma_start3A_649, %dma_start3A_651, %dma_start3A_652] : memref<10x64x128xf32, #tpu.memory_space<vmem>> -> memref<1x64x128xf32, #tpu.memory_space<vmem>>
      %dma_start3A_654 = tpu.memref_squeeze %dma_start3A_653 : memref<1x64x128xf32, #tpu.memory_space<vmem>> -> memref<64x128xf32, #tpu.memory_space<vmem>>
      %dma_start3A_655 = arith.constant 0 : i32
      %dma_start3A_656 = tpu.memref_slice %arg4[%add3A_648, %dma_start3A_655] : memref<204800x128xf32, #tpu.memory_space<hbm>> -> memref<64x128xf32, #tpu.memory_space<hbm>>
      %dma_start3A_657 = tpu.memref_slice %arg8[%dma_start3A_650] : memref<10x!tpu.dma_semaphore, #tpu.memory_space<semaphore_mem>> -> memref<1x!tpu.dma_semaphore, #tpu.memory_space<semaphore_mem>>
      %dma_start3A_658 = tpu.memref_squeeze %dma_start3A_657 : memref<1x!tpu.dma_semaphore, #tpu.memory_space<semaphore_mem>> -> memref<!tpu.dma_semaphore, #tpu.memory_space<semaphore_mem>>
      %dma_start3A_659 = arith.constant 0 : i32
      %dma_start3A_660 = tpu.memref_slice %arg4[%add3A_648, %dma_start3A_659] : memref<204800x128xf32, #tpu.memory_space<hbm>> -> memref<64x128xf32, #tpu.memory_space<hbm>>
      %dma_start3A_661 = arith.constant 0 : i32
      %dma_start3A_662 = arith.constant 0 : i32
      %dma_start3A_663 = tpu.memref_slice %arg6[%dma_start3A_649, %dma_start3A_661, %dma_start3A_662] : memref<10x64x128xf32, #tpu.memory_space<vmem>> -> memref<1x64x128xf32, #tpu.memory_space<vmem>>
      %dma_start3A_664 = tpu.memref_squeeze %dma_start3A_663 : memref<1x64x128xf32, #tpu.memory_space<vmem>> -> memref<64x128xf32, #tpu.memory_space<vmem>>
      tpu.enqueue_dma source(%dma_start3A_664 : memref<64x128xf32, #tpu.memory_space<vmem>>) target(%dma_start3A_660 : memref<64x128xf32, #tpu.memory_space<hbm>>) target_semaphore(%dma_start3A_658 : memref<!tpu.dma_semaphore, #tpu.memory_space<semaphore_mem>>)
      %lt3A_665 = arith.constant 9 : i32
      %lt3A_666 = arith.cmpi slt, %scan3A_336, %lt3A_665 : i32
      %convert_element_type3A_667 = arith.extui %lt3A_666 : i1 to i32
      %cond3A_668 = arith.constant 0 : i32
      %cond3A_669 = arith.cmpi ne, %convert_element_type3A_667, %cond3A_668 : i32
      scf.if %cond3A_669 {
        %mul3A_754 = arith.constant 64 : i32
        %mul3A_755 = arith.muli %add3A_631, %mul3A_754 : i32
        %add3A_756 = arith.addi %mul3A_2, %mul3A_755 : i32
        %dma_wait3A_757 = arith.constant 7 : i32
        %dma_wait3A_758 = arith.constant 7 : i32
        %dma_wait3A_759 = arith.constant 0 : i32
        %dma_wait3A_760 = arith.constant 0 : i32
        %dma_wait3A_761 = tpu.memref_slice %arg6[%dma_wait3A_757, %dma_wait3A_759, %dma_wait3A_760] : memref<10x64x128xf32, #tpu.memory_space<vmem>> -> memref<1x64x128xf32, #tpu.memory_space<vmem>>
        %dma_wait3A_762 = tpu.memref_squeeze %dma_wait3A_761 : memref<1x64x128xf32, #tpu.memory_space<vmem>> -> memref<64x128xf32, #tpu.memory_space<vmem>>
        %dma_wait3A_763 = arith.constant 0 : i32
        %dma_wait3A_764 = tpu.memref_slice %arg4[%add3A_756, %dma_wait3A_763] : memref<204800x128xf32, #tpu.memory_space<hbm>> -> memref<64x128xf32, #tpu.memory_space<hbm>>
        %dma_wait3A_765 = tpu.memref_slice %arg8[%dma_wait3A_758] : memref<10x!tpu.dma_semaphore, #tpu.memory_space<semaphore_mem>> -> memref<1x!tpu.dma_semaphore, #tpu.memory_space<semaphore_mem>>
        %dma_wait3A_766 = tpu.memref_squeeze %dma_wait3A_765 : memref<1x!tpu.dma_semaphore, #tpu.memory_space<semaphore_mem>> -> memref<!tpu.dma_semaphore, #tpu.memory_space<semaphore_mem>>
        %dma_wait3A_767 = arith.constant 0 : i32
        %dma_wait3A_768 = tpu.memref_slice %arg4[%add3A_756, %dma_wait3A_767] : memref<204800x128xf32, #tpu.memory_space<hbm>> -> memref<64x128xf32, #tpu.memory_space<hbm>>
        %dma_wait3A_769 = arith.constant 0 : i32
        %dma_wait3A_770 = arith.constant 0 : i32
        %dma_wait3A_771 = tpu.memref_slice %arg6[%dma_wait3A_757, %dma_wait3A_769, %dma_wait3A_770] : memref<10x64x128xf32, #tpu.memory_space<vmem>> -> memref<1x64x128xf32, #tpu.memory_space<vmem>>
        %dma_wait3A_772 = tpu.memref_squeeze %dma_wait3A_771 : memref<1x64x128xf32, #tpu.memory_space<vmem>> -> memref<64x128xf32, #tpu.memory_space<vmem>>
        tpu.wait_dma2 semaphore(%dma_wait3A_766 : memref<!tpu.dma_semaphore, #tpu.memory_space<semaphore_mem>>) src(%dma_wait3A_772 : memref<64x128xf32, #tpu.memory_space<vmem>>) dst(%dma_wait3A_768 : memref<64x128xf32, #tpu.memory_space<hbm>>)
        %add3A_773 = arith.constant 10 : i32
        %add3A_774 = arith.addi %add3A_631, %add3A_773 : i32
        %dma_start3A_775 = arith.constant 7 : i32
        %dma_start3A_776 = arith.constant 7 : i32
        %dma_start3A_777 = arith.constant 0 : i32
        %dma_start3A_778 = arith.constant 0 : i32
        %dma_start3A_779 = tpu.memref_slice %arg6[%dma_start3A_775, %dma_start3A_777, %dma_start3A_778] : memref<10x64x128xf32, #tpu.memory_space<vmem>> -> memref<1x64x128xf32, #tpu.memory_space<vmem>>
        %dma_start3A_780 = tpu.memref_squeeze %dma_start3A_779 : memref<1x64x128xf32, #tpu.memory_space<vmem>> -> memref<64x128xf32, #tpu.memory_space<vmem>>
        %dma_start3A_781 = arith.constant 0 : i32
        %dma_start3A_782 = tpu.memref_slice %arg5[%add3A_774, %dma_start3A_781] : memref<100x64xi32, #tpu.memory_space<vmem>> -> memref<1x64xi32, #tpu.memory_space<vmem>>
        %dma_start3A_783 = tpu.memref_squeeze %dma_start3A_782 : memref<1x64xi32, #tpu.memory_space<vmem>> -> memref<64xi32, #tpu.memory_space<vmem>>
        %dma_start3A_784 = arith.constant 0 : i32
        %dma_start3A_785 = arith.constant 0 : i32
        %dma_start3A_786 = tpu.memref_slice %arg2[%dma_start3A_784, %dma_start3A_785] : memref<100000x128xf32, #tpu.memory_space<hbm>> -> memref<100000x128xf32, #tpu.memory_space<hbm>>
        %dma_start3A_787 = tpu.memref_slice %arg7[%dma_start3A_776] : memref<10x!tpu.dma_semaphore, #tpu.memory_space<semaphore_mem>> -> memref<1x!tpu.dma_semaphore, #tpu.memory_space<semaphore_mem>>
        %dma_start3A_788 = tpu.memref_squeeze %dma_start3A_787 : memref<1x!tpu.dma_semaphore, #tpu.memory_space<semaphore_mem>> -> memref<!tpu.dma_semaphore, #tpu.memory_space<semaphore_mem>>
        tpu.enqueue_indirect_dma source(%dma_start3A_786 : memref<100000x128xf32, #tpu.memory_space<hbm>>) target(%dma_start3A_780 : memref<64x128xf32, #tpu.memory_space<vmem>>) offsets(%dma_start3A_783 : memref<64xi32, #tpu.memory_space<vmem>>) semaphore(%dma_start3A_788 : memref<!tpu.dma_semaphore, #tpu.memory_space<semaphore_mem>>)
      } else {
      }
      %mul3A_670 = arith.constant 10 : i32
      %mul3A_671 = arith.muli %scan3A_336, %mul3A_670 : i32
      %add3A_672 = arith.constant 8 : i32
      %add3A_673 = arith.addi %mul3A_671, %add3A_672 : i32
      %dma_wait3A_674 = arith.constant 8 : i32
      %dma_wait3A_675 = arith.constant 8 : i32
      %dma_wait3A_676 = arith.constant 0 : i32
      %dma_wait3A_677 = arith.constant 0 : i32
      %dma_wait3A_678 = tpu.memref_slice %arg6[%dma_wait3A_674, %dma_wait3A_676, %dma_wait3A_677] : memref<10x64x128xf32, #tpu.memory_space<vmem>> -> memref<1x64x128xf32, #tpu.memory_space<vmem>>
      %dma_wait3A_679 = tpu.memref_squeeze %dma_wait3A_678 : memref<1x64x128xf32, #tpu.memory_space<vmem>> -> memref<64x128xf32, #tpu.memory_space<vmem>>
      %dma_wait3A_680 = arith.constant 0 : i32
      %dma_wait3A_681 = tpu.memref_slice %arg5[%add3A_673, %dma_wait3A_680] : memref<100x64xi32, #tpu.memory_space<vmem>> -> memref<1x64xi32, #tpu.memory_space<vmem>>
      %dma_wait3A_682 = tpu.memref_squeeze %dma_wait3A_681 : memref<1x64xi32, #tpu.memory_space<vmem>> -> memref<64xi32, #tpu.memory_space<vmem>>
      %dma_wait3A_683 = arith.constant 0 : i32
      %dma_wait3A_684 = arith.constant 0 : i32
      %dma_wait3A_685 = tpu.memref_slice %arg2[%dma_wait3A_683, %dma_wait3A_684] : memref<100000x128xf32, #tpu.memory_space<hbm>> -> memref<100000x128xf32, #tpu.memory_space<hbm>>
      %dma_wait3A_686 = tpu.memref_slice %arg7[%dma_wait3A_675] : memref<10x!tpu.dma_semaphore, #tpu.memory_space<semaphore_mem>> -> memref<1x!tpu.dma_semaphore, #tpu.memory_space<semaphore_mem>>
      %dma_wait3A_687 = tpu.memref_squeeze %dma_wait3A_686 : memref<1x!tpu.dma_semaphore, #tpu.memory_space<semaphore_mem>> -> memref<!tpu.dma_semaphore, #tpu.memory_space<semaphore_mem>>
      tpu.wait_indirect_dma semaphore(%dma_wait3A_687 : memref<!tpu.dma_semaphore, #tpu.memory_space<semaphore_mem>>) src(%dma_wait3A_685 : memref<100000x128xf32, #tpu.memory_space<hbm>>) dst(%dma_wait3A_679 : memref<64x128xf32, #tpu.memory_space<vmem>>)
      %mul3A_688 = arith.constant 64 : i32
      %mul3A_689 = arith.muli %add3A_673, %mul3A_688 : i32
      %add3A_690 = arith.addi %mul3A_2, %mul3A_689 : i32
      %dma_start3A_691 = arith.constant 8 : i32
      %dma_start3A_692 = arith.constant 8 : i32
      %dma_start3A_693 = arith.constant 0 : i32
      %dma_start3A_694 = arith.constant 0 : i32
      %dma_start3A_695 = tpu.memref_slice %arg6[%dma_start3A_691, %dma_start3A_693, %dma_start3A_694] : memref<10x64x128xf32, #tpu.memory_space<vmem>> -> memref<1x64x128xf32, #tpu.memory_space<vmem>>
      %dma_start3A_696 = tpu.memref_squeeze %dma_start3A_695 : memref<1x64x128xf32, #tpu.memory_space<vmem>> -> memref<64x128xf32, #tpu.memory_space<vmem>>
      %dma_start3A_697 = arith.constant 0 : i32
      %dma_start3A_698 = tpu.memref_slice %arg4[%add3A_690, %dma_start3A_697] : memref<204800x128xf32, #tpu.memory_space<hbm>> -> memref<64x128xf32, #tpu.memory_space<hbm>>
      %dma_start3A_699 = tpu.memref_slice %arg8[%dma_start3A_692] : memref<10x!tpu.dma_semaphore, #tpu.memory_space<semaphore_mem>> -> memref<1x!tpu.dma_semaphore, #tpu.memory_space<semaphore_mem>>
      %dma_start3A_700 = tpu.memref_squeeze %dma_start3A_699 : memref<1x!tpu.dma_semaphore, #tpu.memory_space<semaphore_mem>> -> memref<!tpu.dma_semaphore, #tpu.memory_space<semaphore_mem>>
      %dma_start3A_701 = arith.constant 0 : i32
      %dma_start3A_702 = tpu.memref_slice %arg4[%add3A_690, %dma_start3A_701] : memref<204800x128xf32, #tpu.memory_space<hbm>> -> memref<64x128xf32, #tpu.memory_space<hbm>>
      %dma_start3A_703 = arith.constant 0 : i32
      %dma_start3A_704 = arith.constant 0 : i32
      %dma_start3A_705 = tpu.memref_slice %arg6[%dma_start3A_691, %dma_start3A_703, %dma_start3A_704] : memref<10x64x128xf32, #tpu.memory_space<vmem>> -> memref<1x64x128xf32, #tpu.memory_space<vmem>>
      %dma_start3A_706 = tpu.memref_squeeze %dma_start3A_705 : memref<1x64x128xf32, #tpu.memory_space<vmem>> -> memref<64x128xf32, #tpu.memory_space<vmem>>
      tpu.enqueue_dma source(%dma_start3A_706 : memref<64x128xf32, #tpu.memory_space<vmem>>) target(%dma_start3A_702 : memref<64x128xf32, #tpu.memory_space<hbm>>) target_semaphore(%dma_start3A_700 : memref<!tpu.dma_semaphore, #tpu.memory_space<semaphore_mem>>)
      %lt3A_707 = arith.constant 9 : i32
      %lt3A_708 = arith.cmpi slt, %scan3A_336, %lt3A_707 : i32
      %convert_element_type3A_709 = arith.extui %lt3A_708 : i1 to i32
      %cond3A_710 = arith.constant 0 : i32
      %cond3A_711 = arith.cmpi ne, %convert_element_type3A_709, %cond3A_710 : i32
      scf.if %cond3A_711 {
        %mul3A_754 = arith.constant 64 : i32
        %mul3A_755 = arith.muli %add3A_673, %mul3A_754 : i32
        %add3A_756 = arith.addi %mul3A_2, %mul3A_755 : i32
        %dma_wait3A_757 = arith.constant 8 : i32
        %dma_wait3A_758 = arith.constant 8 : i32
        %dma_wait3A_759 = arith.constant 0 : i32
        %dma_wait3A_760 = arith.constant 0 : i32
        %dma_wait3A_761 = tpu.memref_slice %arg6[%dma_wait3A_757, %dma_wait3A_759, %dma_wait3A_760] : memref<10x64x128xf32, #tpu.memory_space<vmem>> -> memref<1x64x128xf32, #tpu.memory_space<vmem>>
        %dma_wait3A_762 = tpu.memref_squeeze %dma_wait3A_761 : memref<1x64x128xf32, #tpu.memory_space<vmem>> -> memref<64x128xf32, #tpu.memory_space<vmem>>
        %dma_wait3A_763 = arith.constant 0 : i32
        %dma_wait3A_764 = tpu.memref_slice %arg4[%add3A_756, %dma_wait3A_763] : memref<204800x128xf32, #tpu.memory_space<hbm>> -> memref<64x128xf32, #tpu.memory_space<hbm>>
        %dma_wait3A_765 = tpu.memref_slice %arg8[%dma_wait3A_758] : memref<10x!tpu.dma_semaphore, #tpu.memory_space<semaphore_mem>> -> memref<1x!tpu.dma_semaphore, #tpu.memory_space<semaphore_mem>>
        %dma_wait3A_766 = tpu.memref_squeeze %dma_wait3A_765 : memref<1x!tpu.dma_semaphore, #tpu.memory_space<semaphore_mem>> -> memref<!tpu.dma_semaphore, #tpu.memory_space<semaphore_mem>>
        %dma_wait3A_767 = arith.constant 0 : i32
        %dma_wait3A_768 = tpu.memref_slice %arg4[%add3A_756, %dma_wait3A_767] : memref<204800x128xf32, #tpu.memory_space<hbm>> -> memref<64x128xf32, #tpu.memory_space<hbm>>
        %dma_wait3A_769 = arith.constant 0 : i32
        %dma_wait3A_770 = arith.constant 0 : i32
        %dma_wait3A_771 = tpu.memref_slice %arg6[%dma_wait3A_757, %dma_wait3A_769, %dma_wait3A_770] : memref<10x64x128xf32, #tpu.memory_space<vmem>> -> memref<1x64x128xf32, #tpu.memory_space<vmem>>
        %dma_wait3A_772 = tpu.memref_squeeze %dma_wait3A_771 : memref<1x64x128xf32, #tpu.memory_space<vmem>> -> memref<64x128xf32, #tpu.memory_space<vmem>>
        tpu.wait_dma2 semaphore(%dma_wait3A_766 : memref<!tpu.dma_semaphore, #tpu.memory_space<semaphore_mem>>) src(%dma_wait3A_772 : memref<64x128xf32, #tpu.memory_space<vmem>>) dst(%dma_wait3A_768 : memref<64x128xf32, #tpu.memory_space<hbm>>)
        %add3A_773 = arith.constant 10 : i32
        %add3A_774 = arith.addi %add3A_673, %add3A_773 : i32
        %dma_start3A_775 = arith.constant 8 : i32
        %dma_start3A_776 = arith.constant 8 : i32
        %dma_start3A_777 = arith.constant 0 : i32
        %dma_start3A_778 = arith.constant 0 : i32
        %dma_start3A_779 = tpu.memref_slice %arg6[%dma_start3A_775, %dma_start3A_777, %dma_start3A_778] : memref<10x64x128xf32, #tpu.memory_space<vmem>> -> memref<1x64x128xf32, #tpu.memory_space<vmem>>
        %dma_start3A_780 = tpu.memref_squeeze %dma_start3A_779 : memref<1x64x128xf32, #tpu.memory_space<vmem>> -> memref<64x128xf32, #tpu.memory_space<vmem>>
        %dma_start3A_781 = arith.constant 0 : i32
        %dma_start3A_782 = tpu.memref_slice %arg5[%add3A_774, %dma_start3A_781] : memref<100x64xi32, #tpu.memory_space<vmem>> -> memref<1x64xi32, #tpu.memory_space<vmem>>
        %dma_start3A_783 = tpu.memref_squeeze %dma_start3A_782 : memref<1x64xi32, #tpu.memory_space<vmem>> -> memref<64xi32, #tpu.memory_space<vmem>>
        %dma_start3A_784 = arith.constant 0 : i32
        %dma_start3A_785 = arith.constant 0 : i32
        %dma_start3A_786 = tpu.memref_slice %arg2[%dma_start3A_784, %dma_start3A_785] : memref<100000x128xf32, #tpu.memory_space<hbm>> -> memref<100000x128xf32, #tpu.memory_space<hbm>>
        %dma_start3A_787 = tpu.memref_slice %arg7[%dma_start3A_776] : memref<10x!tpu.dma_semaphore, #tpu.memory_space<semaphore_mem>> -> memref<1x!tpu.dma_semaphore, #tpu.memory_space<semaphore_mem>>
        %dma_start3A_788 = tpu.memref_squeeze %dma_start3A_787 : memref<1x!tpu.dma_semaphore, #tpu.memory_space<semaphore_mem>> -> memref<!tpu.dma_semaphore, #tpu.memory_space<semaphore_mem>>
        tpu.enqueue_indirect_dma source(%dma_start3A_786 : memref<100000x128xf32, #tpu.memory_space<hbm>>) target(%dma_start3A_780 : memref<64x128xf32, #tpu.memory_space<vmem>>) offsets(%dma_start3A_783 : memref<64xi32, #tpu.memory_space<vmem>>) semaphore(%dma_start3A_788 : memref<!tpu.dma_semaphore, #tpu.memory_space<semaphore_mem>>)
      } else {
      }
      %mul3A_712 = arith.constant 10 : i32
      %mul3A_713 = arith.muli %scan3A_336, %mul3A_712 : i32
      %add3A_714 = arith.constant 9 : i32
      %add3A_715 = arith.addi %mul3A_713, %add3A_714 : i32
      %dma_wait3A_716 = arith.constant 9 : i32
      %dma_wait3A_717 = arith.constant 9 : i32
      %dma_wait3A_718 = arith.constant 0 : i32
      %dma_wait3A_719 = arith.constant 0 : i32
      %dma_wait3A_720 = tpu.memref_slice %arg6[%dma_wait3A_716, %dma_wait3A_718, %dma_wait3A_719] : memref<10x64x128xf32, #tpu.memory_space<vmem>> -> memref<1x64x128xf32, #tpu.memory_space<vmem>>
      %dma_wait3A_721 = tpu.memref_squeeze %dma_wait3A_720 : memref<1x64x128xf32, #tpu.memory_space<vmem>> -> memref<64x128xf32, #tpu.memory_space<vmem>>
      %dma_wait3A_722 = arith.constant 0 : i32
      %dma_wait3A_723 = tpu.memref_slice %arg5[%add3A_715, %dma_wait3A_722] : memref<100x64xi32, #tpu.memory_space<vmem>> -> memref<1x64xi32, #tpu.memory_space<vmem>>
      %dma_wait3A_724 = tpu.memref_squeeze %dma_wait3A_723 : memref<1x64xi32, #tpu.memory_space<vmem>> -> memref<64xi32, #tpu.memory_space<vmem>>
      %dma_wait3A_725 = arith.constant 0 : i32
      %dma_wait3A_726 = arith.constant 0 : i32
      %dma_wait3A_727 = tpu.memref_slice %arg2[%dma_wait3A_725, %dma_wait3A_726] : memref<100000x128xf32, #tpu.memory_space<hbm>> -> memref<100000x128xf32, #tpu.memory_space<hbm>>
      %dma_wait3A_728 = tpu.memref_slice %arg7[%dma_wait3A_717] : memref<10x!tpu.dma_semaphore, #tpu.memory_space<semaphore_mem>> -> memref<1x!tpu.dma_semaphore, #tpu.memory_space<semaphore_mem>>
      %dma_wait3A_729 = tpu.memref_squeeze %dma_wait3A_728 : memref<1x!tpu.dma_semaphore, #tpu.memory_space<semaphore_mem>> -> memref<!tpu.dma_semaphore, #tpu.memory_space<semaphore_mem>>
      tpu.wait_indirect_dma semaphore(%dma_wait3A_729 : memref<!tpu.dma_semaphore, #tpu.memory_space<semaphore_mem>>) src(%dma_wait3A_727 : memref<100000x128xf32, #tpu.memory_space<hbm>>) dst(%dma_wait3A_721 : memref<64x128xf32, #tpu.memory_space<vmem>>)
      %mul3A_730 = arith.constant 64 : i32
      %mul3A_731 = arith.muli %add3A_715, %mul3A_730 : i32
      %add3A_732 = arith.addi %mul3A_2, %mul3A_731 : i32
      %dma_start3A_733 = arith.constant 9 : i32
      %dma_start3A_734 = arith.constant 9 : i32
      %dma_start3A_735 = arith.constant 0 : i32
      %dma_start3A_736 = arith.constant 0 : i32
      %dma_start3A_737 = tpu.memref_slice %arg6[%dma_start3A_733, %dma_start3A_735, %dma_start3A_736] : memref<10x64x128xf32, #tpu.memory_space<vmem>> -> memref<1x64x128xf32, #tpu.memory_space<vmem>>
      %dma_start3A_738 = tpu.memref_squeeze %dma_start3A_737 : memref<1x64x128xf32, #tpu.memory_space<vmem>> -> memref<64x128xf32, #tpu.memory_space<vmem>>
      %dma_start3A_739 = arith.constant 0 : i32
      %dma_start3A_740 = tpu.memref_slice %arg4[%add3A_732, %dma_start3A_739] : memref<204800x128xf32, #tpu.memory_space<hbm>> -> memref<64x128xf32, #tpu.memory_space<hbm>>
      %dma_start3A_741 = tpu.memref_slice %arg8[%dma_start3A_734] : memref<10x!tpu.dma_semaphore, #tpu.memory_space<semaphore_mem>> -> memref<1x!tpu.dma_semaphore, #tpu.memory_space<semaphore_mem>>
      %dma_start3A_742 = tpu.memref_squeeze %dma_start3A_741 : memref<1x!tpu.dma_semaphore, #tpu.memory_space<semaphore_mem>> -> memref<!tpu.dma_semaphore, #tpu.memory_space<semaphore_mem>>
      %dma_start3A_743 = arith.constant 0 : i32
      %dma_start3A_744 = tpu.memref_slice %arg4[%add3A_732, %dma_start3A_743] : memref<204800x128xf32, #tpu.memory_space<hbm>> -> memref<64x128xf32, #tpu.memory_space<hbm>>
      %dma_start3A_745 = arith.constant 0 : i32
      %dma_start3A_746 = arith.constant 0 : i32
      %dma_start3A_747 = tpu.memref_slice %arg6[%dma_start3A_733, %dma_start3A_745, %dma_start3A_746] : memref<10x64x128xf32, #tpu.memory_space<vmem>> -> memref<1x64x128xf32, #tpu.memory_space<vmem>>
      %dma_start3A_748 = tpu.memref_squeeze %dma_start3A_747 : memref<1x64x128xf32, #tpu.memory_space<vmem>> -> memref<64x128xf32, #tpu.memory_space<vmem>>
      tpu.enqueue_dma source(%dma_start3A_748 : memref<64x128xf32, #tpu.memory_space<vmem>>) target(%dma_start3A_744 : memref<64x128xf32, #tpu.memory_space<hbm>>) target_semaphore(%dma_start3A_742 : memref<!tpu.dma_semaphore, #tpu.memory_space<semaphore_mem>>)
      %lt3A_749 = arith.constant 9 : i32
      %lt3A_750 = arith.cmpi slt, %scan3A_336, %lt3A_749 : i32
      %convert_element_type3A_751 = arith.extui %lt3A_750 : i1 to i32
      %cond3A_752 = arith.constant 0 : i32
      %cond3A_753 = arith.cmpi ne, %convert_element_type3A_751, %cond3A_752 : i32
      scf.if %cond3A_753 {
        %mul3A_754 = arith.constant 64 : i32
        %mul3A_755 = arith.muli %add3A_715, %mul3A_754 : i32
        %add3A_756 = arith.addi %mul3A_2, %mul3A_755 : i32
        %dma_wait3A_757 = arith.constant 9 : i32
        %dma_wait3A_758 = arith.constant 9 : i32
        %dma_wait3A_759 = arith.constant 0 : i32
        %dma_wait3A_760 = arith.constant 0 : i32
        %dma_wait3A_761 = tpu.memref_slice %arg6[%dma_wait3A_757, %dma_wait3A_759, %dma_wait3A_760] : memref<10x64x128xf32, #tpu.memory_space<vmem>> -> memref<1x64x128xf32, #tpu.memory_space<vmem>>
        %dma_wait3A_762 = tpu.memref_squeeze %dma_wait3A_761 : memref<1x64x128xf32, #tpu.memory_space<vmem>> -> memref<64x128xf32, #tpu.memory_space<vmem>>
        %dma_wait3A_763 = arith.constant 0 : i32
        %dma_wait3A_764 = tpu.memref_slice %arg4[%add3A_756, %dma_wait3A_763] : memref<204800x128xf32, #tpu.memory_space<hbm>> -> memref<64x128xf32, #tpu.memory_space<hbm>>
        %dma_wait3A_765 = tpu.memref_slice %arg8[%dma_wait3A_758] : memref<10x!tpu.dma_semaphore, #tpu.memory_space<semaphore_mem>> -> memref<1x!tpu.dma_semaphore, #tpu.memory_space<semaphore_mem>>
        %dma_wait3A_766 = tpu.memref_squeeze %dma_wait3A_765 : memref<1x!tpu.dma_semaphore, #tpu.memory_space<semaphore_mem>> -> memref<!tpu.dma_semaphore, #tpu.memory_space<semaphore_mem>>
        %dma_wait3A_767 = arith.constant 0 : i32
        %dma_wait3A_768 = tpu.memref_slice %arg4[%add3A_756, %dma_wait3A_767] : memref<204800x128xf32, #tpu.memory_space<hbm>> -> memref<64x128xf32, #tpu.memory_space<hbm>>
        %dma_wait3A_769 = arith.constant 0 : i32
        %dma_wait3A_770 = arith.constant 0 : i32
        %dma_wait3A_771 = tpu.memref_slice %arg6[%dma_wait3A_757, %dma_wait3A_769, %dma_wait3A_770] : memref<10x64x128xf32, #tpu.memory_space<vmem>> -> memref<1x64x128xf32, #tpu.memory_space<vmem>>
        %dma_wait3A_772 = tpu.memref_squeeze %dma_wait3A_771 : memref<1x64x128xf32, #tpu.memory_space<vmem>> -> memref<64x128xf32, #tpu.memory_space<vmem>>
        tpu.wait_dma2 semaphore(%dma_wait3A_766 : memref<!tpu.dma_semaphore, #tpu.memory_space<semaphore_mem>>) src(%dma_wait3A_772 : memref<64x128xf32, #tpu.memory_space<vmem>>) dst(%dma_wait3A_768 : memref<64x128xf32, #tpu.memory_space<hbm>>)
        %add3A_773 = arith.constant 10 : i32
        %add3A_774 = arith.addi %add3A_715, %add3A_773 : i32
        %dma_start3A_775 = arith.constant 9 : i32
        %dma_start3A_776 = arith.constant 9 : i32
        %dma_start3A_777 = arith.constant 0 : i32
        %dma_start3A_778 = arith.constant 0 : i32
        %dma_start3A_779 = tpu.memref_slice %arg6[%dma_start3A_775, %dma_start3A_777, %dma_start3A_778] : memref<10x64x128xf32, #tpu.memory_space<vmem>> -> memref<1x64x128xf32, #tpu.memory_space<vmem>>
        %dma_start3A_780 = tpu.memref_squeeze %dma_start3A_779 : memref<1x64x128xf32, #tpu.memory_space<vmem>> -> memref<64x128xf32, #tpu.memory_space<vmem>>
        %dma_start3A_781 = arith.constant 0 : i32
        %dma_start3A_782 = tpu.memref_slice %arg5[%add3A_774, %dma_start3A_781] : memref<100x64xi32, #tpu.memory_space<vmem>> -> memref<1x64xi32, #tpu.memory_space<vmem>>
        %dma_start3A_783 = tpu.memref_squeeze %dma_start3A_782 : memref<1x64xi32, #tpu.memory_space<vmem>> -> memref<64xi32, #tpu.memory_space<vmem>>
        %dma_start3A_784 = arith.constant 0 : i32
        %dma_start3A_785 = arith.constant 0 : i32
        %dma_start3A_786 = tpu.memref_slice %arg2[%dma_start3A_784, %dma_start3A_785] : memref<100000x128xf32, #tpu.memory_space<hbm>> -> memref<100000x128xf32, #tpu.memory_space<hbm>>
        %dma_start3A_787 = tpu.memref_slice %arg7[%dma_start3A_776] : memref<10x!tpu.dma_semaphore, #tpu.memory_space<semaphore_mem>> -> memref<1x!tpu.dma_semaphore, #tpu.memory_space<semaphore_mem>>
        %dma_start3A_788 = tpu.memref_squeeze %dma_start3A_787 : memref<1x!tpu.dma_semaphore, #tpu.memory_space<semaphore_mem>> -> memref<!tpu.dma_semaphore, #tpu.memory_space<semaphore_mem>>
        tpu.enqueue_indirect_dma source(%dma_start3A_786 : memref<100000x128xf32, #tpu.memory_space<hbm>>) target(%dma_start3A_780 : memref<64x128xf32, #tpu.memory_space<vmem>>) offsets(%dma_start3A_783 : memref<64xi32, #tpu.memory_space<vmem>>) semaphore(%dma_start3A_788 : memref<!tpu.dma_semaphore, #tpu.memory_space<semaphore_mem>>)
      } else {
      }
    }
    %scan3A_156 = arith.constant 10 : i32
    %add3A_157 = arith.constant 5760 : i32
    %add3A_158 = arith.addi %mul3A_2, %add3A_157 : i32
    %dma_wait3A = arith.constant 0 : i32
    %dma_wait3A_159 = arith.constant 0 : i32
    %dma_wait3A_160 = arith.constant 0 : i32
    %dma_wait3A_161 = arith.constant 0 : i32
    %dma_wait3A_162 = tpu.memref_slice %arg6[%dma_wait3A, %dma_wait3A_160, %dma_wait3A_161] : memref<10x64x128xf32, #tpu.memory_space<vmem>> -> memref<1x64x128xf32, #tpu.memory_space<vmem>>
    %dma_wait3A_163 = tpu.memref_squeeze %dma_wait3A_162 : memref<1x64x128xf32, #tpu.memory_space<vmem>> -> memref<64x128xf32, #tpu.memory_space<vmem>>
    %dma_wait3A_164 = arith.constant 0 : i32
    %dma_wait3A_165 = tpu.memref_slice %arg4[%add3A_158, %dma_wait3A_164] : memref<204800x128xf32, #tpu.memory_space<hbm>> -> memref<64x128xf32, #tpu.memory_space<hbm>>
    %dma_wait3A_166 = tpu.memref_slice %arg8[%dma_wait3A_159] : memref<10x!tpu.dma_semaphore, #tpu.memory_space<semaphore_mem>> -> memref<1x!tpu.dma_semaphore, #tpu.memory_space<semaphore_mem>>
    %dma_wait3A_167 = tpu.memref_squeeze %dma_wait3A_166 : memref<1x!tpu.dma_semaphore, #tpu.memory_space<semaphore_mem>> -> memref<!tpu.dma_semaphore, #tpu.memory_space<semaphore_mem>>
    %dma_wait3A_168 = arith.constant 0 : i32
    %dma_wait3A_169 = tpu.memref_slice %arg4[%add3A_158, %dma_wait3A_168] : memref<204800x128xf32, #tpu.memory_space<hbm>> -> memref<64x128xf32, #tpu.memory_space<hbm>>
    %dma_wait3A_170 = arith.constant 0 : i32
    %dma_wait3A_171 = arith.constant 0 : i32
    %dma_wait3A_172 = tpu.memref_slice %arg6[%dma_wait3A, %dma_wait3A_170, %dma_wait3A_171] : memref<10x64x128xf32, #tpu.memory_space<vmem>> -> memref<1x64x128xf32, #tpu.memory_space<vmem>>
    %dma_wait3A_173 = tpu.memref_squeeze %dma_wait3A_172 : memref<1x64x128xf32, #tpu.memory_space<vmem>> -> memref<64x128xf32, #tpu.memory_space<vmem>>
    tpu.wait_dma2 semaphore(%dma_wait3A_167 : memref<!tpu.dma_semaphore, #tpu.memory_space<semaphore_mem>>) src(%dma_wait3A_173 : memref<64x128xf32, #tpu.memory_space<vmem>>) dst(%dma_wait3A_169 : memref<64x128xf32, #tpu.memory_space<hbm>>)
    %add3A_174 = arith.constant 5824 : i32
    %add3A_175 = arith.addi %mul3A_2, %add3A_174 : i32
    %dma_wait3A_176 = arith.constant 1 : i32
    %dma_wait3A_177 = arith.constant 1 : i32
    %dma_wait3A_178 = arith.constant 0 : i32
    %dma_wait3A_179 = arith.constant 0 : i32
    %dma_wait3A_180 = tpu.memref_slice %arg6[%dma_wait3A_176, %dma_wait3A_178, %dma_wait3A_179] : memref<10x64x128xf32, #tpu.memory_space<vmem>> -> memref<1x64x128xf32, #tpu.memory_space<vmem>>
    %dma_wait3A_181 = tpu.memref_squeeze %dma_wait3A_180 : memref<1x64x128xf32, #tpu.memory_space<vmem>> -> memref<64x128xf32, #tpu.memory_space<vmem>>
    %dma_wait3A_182 = arith.constant 0 : i32
    %dma_wait3A_183 = tpu.memref_slice %arg4[%add3A_175, %dma_wait3A_182] : memref<204800x128xf32, #tpu.memory_space<hbm>> -> memref<64x128xf32, #tpu.memory_space<hbm>>
    %dma_wait3A_184 = tpu.memref_slice %arg8[%dma_wait3A_177] : memref<10x!tpu.dma_semaphore, #tpu.memory_space<semaphore_mem>> -> memref<1x!tpu.dma_semaphore, #tpu.memory_space<semaphore_mem>>
    %dma_wait3A_185 = tpu.memref_squeeze %dma_wait3A_184 : memref<1x!tpu.dma_semaphore, #tpu.memory_space<semaphore_mem>> -> memref<!tpu.dma_semaphore, #tpu.memory_space<semaphore_mem>>
    %dma_wait3A_186 = arith.constant 0 : i32
    %dma_wait3A_187 = tpu.memref_slice %arg4[%add3A_175, %dma_wait3A_186] : memref<204800x128xf32, #tpu.memory_space<hbm>> -> memref<64x128xf32, #tpu.memory_space<hbm>>
    %dma_wait3A_188 = arith.constant 0 : i32
    %dma_wait3A_189 = arith.constant 0 : i32
    %dma_wait3A_190 = tpu.memref_slice %arg6[%dma_wait3A_176, %dma_wait3A_188, %dma_wait3A_189] : memref<10x64x128xf32, #tpu.memory_space<vmem>> -> memref<1x64x128xf32, #tpu.memory_space<vmem>>
    %dma_wait3A_191 = tpu.memref_squeeze %dma_wait3A_190 : memref<1x64x128xf32, #tpu.memory_space<vmem>> -> memref<64x128xf32, #tpu.memory_space<vmem>>
    tpu.wait_dma2 semaphore(%dma_wait3A_185 : memref<!tpu.dma_semaphore, #tpu.memory_space<semaphore_mem>>) src(%dma_wait3A_191 : memref<64x128xf32, #tpu.memory_space<vmem>>) dst(%dma_wait3A_187 : memref<64x128xf32, #tpu.memory_space<hbm>>)
    %add3A_192 = arith.constant 5888 : i32
    %add3A_193 = arith.addi %mul3A_2, %add3A_192 : i32
    %dma_wait3A_194 = arith.constant 2 : i32
    %dma_wait3A_195 = arith.constant 2 : i32
    %dma_wait3A_196 = arith.constant 0 : i32
    %dma_wait3A_197 = arith.constant 0 : i32
    %dma_wait3A_198 = tpu.memref_slice %arg6[%dma_wait3A_194, %dma_wait3A_196, %dma_wait3A_197] : memref<10x64x128xf32, #tpu.memory_space<vmem>> -> memref<1x64x128xf32, #tpu.memory_space<vmem>>
    %dma_wait3A_199 = tpu.memref_squeeze %dma_wait3A_198 : memref<1x64x128xf32, #tpu.memory_space<vmem>> -> memref<64x128xf32, #tpu.memory_space<vmem>>
    %dma_wait3A_200 = arith.constant 0 : i32
    %dma_wait3A_201 = tpu.memref_slice %arg4[%add3A_193, %dma_wait3A_200] : memref<204800x128xf32, #tpu.memory_space<hbm>> -> memref<64x128xf32, #tpu.memory_space<hbm>>
    %dma_wait3A_202 = tpu.memref_slice %arg8[%dma_wait3A_195] : memref<10x!tpu.dma_semaphore, #tpu.memory_space<semaphore_mem>> -> memref<1x!tpu.dma_semaphore, #tpu.memory_space<semaphore_mem>>
    %dma_wait3A_203 = tpu.memref_squeeze %dma_wait3A_202 : memref<1x!tpu.dma_semaphore, #tpu.memory_space<semaphore_mem>> -> memref<!tpu.dma_semaphore, #tpu.memory_space<semaphore_mem>>
    %dma_wait3A_204 = arith.constant 0 : i32
    %dma_wait3A_205 = tpu.memref_slice %arg4[%add3A_193, %dma_wait3A_204] : memref<204800x128xf32, #tpu.memory_space<hbm>> -> memref<64x128xf32, #tpu.memory_space<hbm>>
    %dma_wait3A_206 = arith.constant 0 : i32
    %dma_wait3A_207 = arith.constant 0 : i32
    %dma_wait3A_208 = tpu.memref_slice %arg6[%dma_wait3A_194, %dma_wait3A_206, %dma_wait3A_207] : memref<10x64x128xf32, #tpu.memory_space<vmem>> -> memref<1x64x128xf32, #tpu.memory_space<vmem>>
    %dma_wait3A_209 = tpu.memref_squeeze %dma_wait3A_208 : memref<1x64x128xf32, #tpu.memory_space<vmem>> -> memref<64x128xf32, #tpu.memory_space<vmem>>
    tpu.wait_dma2 semaphore(%dma_wait3A_203 : memref<!tpu.dma_semaphore, #tpu.memory_space<semaphore_mem>>) src(%dma_wait3A_209 : memref<64x128xf32, #tpu.memory_space<vmem>>) dst(%dma_wait3A_205 : memref<64x128xf32, #tpu.memory_space<hbm>>)
    %add3A_210 = arith.constant 5952 : i32
    %add3A_211 = arith.addi %mul3A_2, %add3A_210 : i32
    %dma_wait3A_212 = arith.constant 3 : i32
    %dma_wait3A_213 = arith.constant 3 : i32
    %dma_wait3A_214 = arith.constant 0 : i32
    %dma_wait3A_215 = arith.constant 0 : i32
    %dma_wait3A_216 = tpu.memref_slice %arg6[%dma_wait3A_212, %dma_wait3A_214, %dma_wait3A_215] : memref<10x64x128xf32, #tpu.memory_space<vmem>> -> memref<1x64x128xf32, #tpu.memory_space<vmem>>
    %dma_wait3A_217 = tpu.memref_squeeze %dma_wait3A_216 : memref<1x64x128xf32, #tpu.memory_space<vmem>> -> memref<64x128xf32, #tpu.memory_space<vmem>>
    %dma_wait3A_218 = arith.constant 0 : i32
    %dma_wait3A_219 = tpu.memref_slice %arg4[%add3A_211, %dma_wait3A_218] : memref<204800x128xf32, #tpu.memory_space<hbm>> -> memref<64x128xf32, #tpu.memory_space<hbm>>
    %dma_wait3A_220 = tpu.memref_slice %arg8[%dma_wait3A_213] : memref<10x!tpu.dma_semaphore, #tpu.memory_space<semaphore_mem>> -> memref<1x!tpu.dma_semaphore, #tpu.memory_space<semaphore_mem>>
    %dma_wait3A_221 = tpu.memref_squeeze %dma_wait3A_220 : memref<1x!tpu.dma_semaphore, #tpu.memory_space<semaphore_mem>> -> memref<!tpu.dma_semaphore, #tpu.memory_space<semaphore_mem>>
    %dma_wait3A_222 = arith.constant 0 : i32
    %dma_wait3A_223 = tpu.memref_slice %arg4[%add3A_211, %dma_wait3A_222] : memref<204800x128xf32, #tpu.memory_space<hbm>> -> memref<64x128xf32, #tpu.memory_space<hbm>>
    %dma_wait3A_224 = arith.constant 0 : i32
    %dma_wait3A_225 = arith.constant 0 : i32
    %dma_wait3A_226 = tpu.memref_slice %arg6[%dma_wait3A_212, %dma_wait3A_224, %dma_wait3A_225] : memref<10x64x128xf32, #tpu.memory_space<vmem>> -> memref<1x64x128xf32, #tpu.memory_space<vmem>>
    %dma_wait3A_227 = tpu.memref_squeeze %dma_wait3A_226 : memref<1x64x128xf32, #tpu.memory_space<vmem>> -> memref<64x128xf32, #tpu.memory_space<vmem>>
    tpu.wait_dma2 semaphore(%dma_wait3A_221 : memref<!tpu.dma_semaphore, #tpu.memory_space<semaphore_mem>>) src(%dma_wait3A_227 : memref<64x128xf32, #tpu.memory_space<vmem>>) dst(%dma_wait3A_223 : memref<64x128xf32, #tpu.memory_space<hbm>>)
    %add3A_228 = arith.constant 6016 : i32
    %add3A_229 = arith.addi %mul3A_2, %add3A_228 : i32
    %dma_wait3A_230 = arith.constant 4 : i32
    %dma_wait3A_231 = arith.constant 4 : i32
    %dma_wait3A_232 = arith.constant 0 : i32
    %dma_wait3A_233 = arith.constant 0 : i32
    %dma_wait3A_234 = tpu.memref_slice %arg6[%dma_wait3A_230, %dma_wait3A_232, %dma_wait3A_233] : memref<10x64x128xf32, #tpu.memory_space<vmem>> -> memref<1x64x128xf32, #tpu.memory_space<vmem>>
    %dma_wait3A_235 = tpu.memref_squeeze %dma_wait3A_234 : memref<1x64x128xf32, #tpu.memory_space<vmem>> -> memref<64x128xf32, #tpu.memory_space<vmem>>
    %dma_wait3A_236 = arith.constant 0 : i32
    %dma_wait3A_237 = tpu.memref_slice %arg4[%add3A_229, %dma_wait3A_236] : memref<204800x128xf32, #tpu.memory_space<hbm>> -> memref<64x128xf32, #tpu.memory_space<hbm>>
    %dma_wait3A_238 = tpu.memref_slice %arg8[%dma_wait3A_231] : memref<10x!tpu.dma_semaphore, #tpu.memory_space<semaphore_mem>> -> memref<1x!tpu.dma_semaphore, #tpu.memory_space<semaphore_mem>>
    %dma_wait3A_239 = tpu.memref_squeeze %dma_wait3A_238 : memref<1x!tpu.dma_semaphore, #tpu.memory_space<semaphore_mem>> -> memref<!tpu.dma_semaphore, #tpu.memory_space<semaphore_mem>>
    %dma_wait3A_240 = arith.constant 0 : i32
    %dma_wait3A_241 = tpu.memref_slice %arg4[%add3A_229, %dma_wait3A_240] : memref<204800x128xf32, #tpu.memory_space<hbm>> -> memref<64x128xf32, #tpu.memory_space<hbm>>
    %dma_wait3A_242 = arith.constant 0 : i32
    %dma_wait3A_243 = arith.constant 0 : i32
    %dma_wait3A_244 = tpu.memref_slice %arg6[%dma_wait3A_230, %dma_wait3A_242, %dma_wait3A_243] : memref<10x64x128xf32, #tpu.memory_space<vmem>> -> memref<1x64x128xf32, #tpu.memory_space<vmem>>
    %dma_wait3A_245 = tpu.memref_squeeze %dma_wait3A_244 : memref<1x64x128xf32, #tpu.memory_space<vmem>> -> memref<64x128xf32, #tpu.memory_space<vmem>>
    tpu.wait_dma2 semaphore(%dma_wait3A_239 : memref<!tpu.dma_semaphore, #tpu.memory_space<semaphore_mem>>) src(%dma_wait3A_245 : memref<64x128xf32, #tpu.memory_space<vmem>>) dst(%dma_wait3A_241 : memref<64x128xf32, #tpu.memory_space<hbm>>)
    %add3A_246 = arith.constant 6080 : i32
    %add3A_247 = arith.addi %mul3A_2, %add3A_246 : i32
    %dma_wait3A_248 = arith.constant 5 : i32
    %dma_wait3A_249 = arith.constant 5 : i32
    %dma_wait3A_250 = arith.constant 0 : i32
    %dma_wait3A_251 = arith.constant 0 : i32
    %dma_wait3A_252 = tpu.memref_slice %arg6[%dma_wait3A_248, %dma_wait3A_250, %dma_wait3A_251] : memref<10x64x128xf32, #tpu.memory_space<vmem>> -> memref<1x64x128xf32, #tpu.memory_space<vmem>>
    %dma_wait3A_253 = tpu.memref_squeeze %dma_wait3A_252 : memref<1x64x128xf32, #tpu.memory_space<vmem>> -> memref<64x128xf32, #tpu.memory_space<vmem>>
    %dma_wait3A_254 = arith.constant 0 : i32
    %dma_wait3A_255 = tpu.memref_slice %arg4[%add3A_247, %dma_wait3A_254] : memref<204800x128xf32, #tpu.memory_space<hbm>> -> memref<64x128xf32, #tpu.memory_space<hbm>>
    %dma_wait3A_256 = tpu.memref_slice %arg8[%dma_wait3A_249] : memref<10x!tpu.dma_semaphore, #tpu.memory_space<semaphore_mem>> -> memref<1x!tpu.dma_semaphore, #tpu.memory_space<semaphore_mem>>
    %dma_wait3A_257 = tpu.memref_squeeze %dma_wait3A_256 : memref<1x!tpu.dma_semaphore, #tpu.memory_space<semaphore_mem>> -> memref<!tpu.dma_semaphore, #tpu.memory_space<semaphore_mem>>
    %dma_wait3A_258 = arith.constant 0 : i32
    %dma_wait3A_259 = tpu.memref_slice %arg4[%add3A_247, %dma_wait3A_258] : memref<204800x128xf32, #tpu.memory_space<hbm>> -> memref<64x128xf32, #tpu.memory_space<hbm>>
    %dma_wait3A_260 = arith.constant 0 : i32
    %dma_wait3A_261 = arith.constant 0 : i32
    %dma_wait3A_262 = tpu.memref_slice %arg6[%dma_wait3A_248, %dma_wait3A_260, %dma_wait3A_261] : memref<10x64x128xf32, #tpu.memory_space<vmem>> -> memref<1x64x128xf32, #tpu.memory_space<vmem>>
    %dma_wait3A_263 = tpu.memref_squeeze %dma_wait3A_262 : memref<1x64x128xf32, #tpu.memory_space<vmem>> -> memref<64x128xf32, #tpu.memory_space<vmem>>
    tpu.wait_dma2 semaphore(%dma_wait3A_257 : memref<!tpu.dma_semaphore, #tpu.memory_space<semaphore_mem>>) src(%dma_wait3A_263 : memref<64x128xf32, #tpu.memory_space<vmem>>) dst(%dma_wait3A_259 : memref<64x128xf32, #tpu.memory_space<hbm>>)
    %add3A_264 = arith.constant 6144 : i32
    %add3A_265 = arith.addi %mul3A_2, %add3A_264 : i32
    %dma_wait3A_266 = arith.constant 6 : i32
    %dma_wait3A_267 = arith.constant 6 : i32
    %dma_wait3A_268 = arith.constant 0 : i32
    %dma_wait3A_269 = arith.constant 0 : i32
    %dma_wait3A_270 = tpu.memref_slice %arg6[%dma_wait3A_266, %dma_wait3A_268, %dma_wait3A_269] : memref<10x64x128xf32, #tpu.memory_space<vmem>> -> memref<1x64x128xf32, #tpu.memory_space<vmem>>
    %dma_wait3A_271 = tpu.memref_squeeze %dma_wait3A_270 : memref<1x64x128xf32, #tpu.memory_space<vmem>> -> memref<64x128xf32, #tpu.memory_space<vmem>>
    %dma_wait3A_272 = arith.constant 0 : i32
    %dma_wait3A_273 = tpu.memref_slice %arg4[%add3A_265, %dma_wait3A_272] : memref<204800x128xf32, #tpu.memory_space<hbm>> -> memref<64x128xf32, #tpu.memory_space<hbm>>
    %dma_wait3A_274 = tpu.memref_slice %arg8[%dma_wait3A_267] : memref<10x!tpu.dma_semaphore, #tpu.memory_space<semaphore_mem>> -> memref<1x!tpu.dma_semaphore, #tpu.memory_space<semaphore_mem>>
    %dma_wait3A_275 = tpu.memref_squeeze %dma_wait3A_274 : memref<1x!tpu.dma_semaphore, #tpu.memory_space<semaphore_mem>> -> memref<!tpu.dma_semaphore, #tpu.memory_space<semaphore_mem>>
    %dma_wait3A_276 = arith.constant 0 : i32
    %dma_wait3A_277 = tpu.memref_slice %arg4[%add3A_265, %dma_wait3A_276] : memref<204800x128xf32, #tpu.memory_space<hbm>> -> memref<64x128xf32, #tpu.memory_space<hbm>>
    %dma_wait3A_278 = arith.constant 0 : i32
    %dma_wait3A_279 = arith.constant 0 : i32
    %dma_wait3A_280 = tpu.memref_slice %arg6[%dma_wait3A_266, %dma_wait3A_278, %dma_wait3A_279] : memref<10x64x128xf32, #tpu.memory_space<vmem>> -> memref<1x64x128xf32, #tpu.memory_space<vmem>>
    %dma_wait3A_281 = tpu.memref_squeeze %dma_wait3A_280 : memref<1x64x128xf32, #tpu.memory_space<vmem>> -> memref<64x128xf32, #tpu.memory_space<vmem>>
    tpu.wait_dma2 semaphore(%dma_wait3A_275 : memref<!tpu.dma_semaphore, #tpu.memory_space<semaphore_mem>>) src(%dma_wait3A_281 : memref<64x128xf32, #tpu.memory_space<vmem>>) dst(%dma_wait3A_277 : memref<64x128xf32, #tpu.memory_space<hbm>>)
    %add3A_282 = arith.constant 6208 : i32
    %add3A_283 = arith.addi %mul3A_2, %add3A_282 : i32
    %dma_wait3A_284 = arith.constant 7 : i32
    %dma_wait3A_285 = arith.constant 7 : i32
    %dma_wait3A_286 = arith.constant 0 : i32
    %dma_wait3A_287 = arith.constant 0 : i32
    %dma_wait3A_288 = tpu.memref_slice %arg6[%dma_wait3A_284, %dma_wait3A_286, %dma_wait3A_287] : memref<10x64x128xf32, #tpu.memory_space<vmem>> -> memref<1x64x128xf32, #tpu.memory_space<vmem>>
    %dma_wait3A_289 = tpu.memref_squeeze %dma_wait3A_288 : memref<1x64x128xf32, #tpu.memory_space<vmem>> -> memref<64x128xf32, #tpu.memory_space<vmem>>
    %dma_wait3A_290 = arith.constant 0 : i32
    %dma_wait3A_291 = tpu.memref_slice %arg4[%add3A_283, %dma_wait3A_290] : memref<204800x128xf32, #tpu.memory_space<hbm>> -> memref<64x128xf32, #tpu.memory_space<hbm>>
    %dma_wait3A_292 = tpu.memref_slice %arg8[%dma_wait3A_285] : memref<10x!tpu.dma_semaphore, #tpu.memory_space<semaphore_mem>> -> memref<1x!tpu.dma_semaphore, #tpu.memory_space<semaphore_mem>>
    %dma_wait3A_293 = tpu.memref_squeeze %dma_wait3A_292 : memref<1x!tpu.dma_semaphore, #tpu.memory_space<semaphore_mem>> -> memref<!tpu.dma_semaphore, #tpu.memory_space<semaphore_mem>>
    %dma_wait3A_294 = arith.constant 0 : i32
    %dma_wait3A_295 = tpu.memref_slice %arg4[%add3A_283, %dma_wait3A_294] : memref<204800x128xf32, #tpu.memory_space<hbm>> -> memref<64x128xf32, #tpu.memory_space<hbm>>
    %dma_wait3A_296 = arith.constant 0 : i32
    %dma_wait3A_297 = arith.constant 0 : i32
    %dma_wait3A_298 = tpu.memref_slice %arg6[%dma_wait3A_284, %dma_wait3A_296, %dma_wait3A_297] : memref<10x64x128xf32, #tpu.memory_space<vmem>> -> memref<1x64x128xf32, #tpu.memory_space<vmem>>
    %dma_wait3A_299 = tpu.memref_squeeze %dma_wait3A_298 : memref<1x64x128xf32, #tpu.memory_space<vmem>> -> memref<64x128xf32, #tpu.memory_space<vmem>>
    tpu.wait_dma2 semaphore(%dma_wait3A_293 : memref<!tpu.dma_semaphore, #tpu.memory_space<semaphore_mem>>) src(%dma_wait3A_299 : memref<64x128xf32, #tpu.memory_space<vmem>>) dst(%dma_wait3A_295 : memref<64x128xf32, #tpu.memory_space<hbm>>)
    %add3A_300 = arith.constant 6272 : i32
    %add3A_301 = arith.addi %mul3A_2, %add3A_300 : i32
    %dma_wait3A_302 = arith.constant 8 : i32
    %dma_wait3A_303 = arith.constant 8 : i32
    %dma_wait3A_304 = arith.constant 0 : i32
    %dma_wait3A_305 = arith.constant 0 : i32
    %dma_wait3A_306 = tpu.memref_slice %arg6[%dma_wait3A_302, %dma_wait3A_304, %dma_wait3A_305] : memref<10x64x128xf32, #tpu.memory_space<vmem>> -> memref<1x64x128xf32, #tpu.memory_space<vmem>>
    %dma_wait3A_307 = tpu.memref_squeeze %dma_wait3A_306 : memref<1x64x128xf32, #tpu.memory_space<vmem>> -> memref<64x128xf32, #tpu.memory_space<vmem>>
    %dma_wait3A_308 = arith.constant 0 : i32
    %dma_wait3A_309 = tpu.memref_slice %arg4[%add3A_301, %dma_wait3A_308] : memref<204800x128xf32, #tpu.memory_space<hbm>> -> memref<64x128xf32, #tpu.memory_space<hbm>>
    %dma_wait3A_310 = tpu.memref_slice %arg8[%dma_wait3A_303] : memref<10x!tpu.dma_semaphore, #tpu.memory_space<semaphore_mem>> -> memref<1x!tpu.dma_semaphore, #tpu.memory_space<semaphore_mem>>
    %dma_wait3A_311 = tpu.memref_squeeze %dma_wait3A_310 : memref<1x!tpu.dma_semaphore, #tpu.memory_space<semaphore_mem>> -> memref<!tpu.dma_semaphore, #tpu.memory_space<semaphore_mem>>
    %dma_wait3A_312 = arith.constant 0 : i32
    %dma_wait3A_313 = tpu.memref_slice %arg4[%add3A_301, %dma_wait3A_312] : memref<204800x128xf32, #tpu.memory_space<hbm>> -> memref<64x128xf32, #tpu.memory_space<hbm>>
    %dma_wait3A_314 = arith.constant 0 : i32
    %dma_wait3A_315 = arith.constant 0 : i32
    %dma_wait3A_316 = tpu.memref_slice %arg6[%dma_wait3A_302, %dma_wait3A_314, %dma_wait3A_315] : memref<10x64x128xf32, #tpu.memory_space<vmem>> -> memref<1x64x128xf32, #tpu.memory_space<vmem>>
    %dma_wait3A_317 = tpu.memref_squeeze %dma_wait3A_316 : memref<1x64x128xf32, #tpu.memory_space<vmem>> -> memref<64x128xf32, #tpu.memory_space<vmem>>
    tpu.wait_dma2 semaphore(%dma_wait3A_311 : memref<!tpu.dma_semaphore, #tpu.memory_space<semaphore_mem>>) src(%dma_wait3A_317 : memref<64x128xf32, #tpu.memory_space<vmem>>) dst(%dma_wait3A_313 : memref<64x128xf32, #tpu.memory_space<hbm>>)
    %add3A_318 = arith.constant 6336 : i32
    %add3A_319 = arith.addi %mul3A_2, %add3A_318 : i32
    %dma_wait3A_320 = arith.constant 9 : i32
    %dma_wait3A_321 = arith.constant 9 : i32
    %dma_wait3A_322 = arith.constant 0 : i32
    %dma_wait3A_323 = arith.constant 0 : i32
    %dma_wait3A_324 = tpu.memref_slice %arg6[%dma_wait3A_320, %dma_wait3A_322, %dma_wait3A_323] : memref<10x64x128xf32, #tpu.memory_space<vmem>> -> memref<1x64x128xf32, #tpu.memory_space<vmem>>
    %dma_wait3A_325 = tpu.memref_squeeze %dma_wait3A_324 : memref<1x64x128xf32, #tpu.memory_space<vmem>> -> memref<64x128xf32, #tpu.memory_space<vmem>>
    %dma_wait3A_326 = arith.constant 0 : i32
    %dma_wait3A_327 = tpu.memref_slice %arg4[%add3A_319, %dma_wait3A_326] : memref<204800x128xf32, #tpu.memory_space<hbm>> -> memref<64x128xf32, #tpu.memory_space<hbm>>
    %dma_wait3A_328 = tpu.memref_slice %arg8[%dma_wait3A_321] : memref<10x!tpu.dma_semaphore, #tpu.memory_space<semaphore_mem>> -> memref<1x!tpu.dma_semaphore, #tpu.memory_space<semaphore_mem>>
    %dma_wait3A_329 = tpu.memref_squeeze %dma_wait3A_328 : memref<1x!tpu.dma_semaphore, #tpu.memory_space<semaphore_mem>> -> memref<!tpu.dma_semaphore, #tpu.memory_space<semaphore_mem>>
    %dma_wait3A_330 = arith.constant 0 : i32
    %dma_wait3A_331 = tpu.memref_slice %arg4[%add3A_319, %dma_wait3A_330] : memref<204800x128xf32, #tpu.memory_space<hbm>> -> memref<64x128xf32, #tpu.memory_space<hbm>>
    %dma_wait3A_332 = arith.constant 0 : i32
    %dma_wait3A_333 = arith.constant 0 : i32
    %dma_wait3A_334 = tpu.memref_slice %arg6[%dma_wait3A_320, %dma_wait3A_332, %dma_wait3A_333] : memref<10x64x128xf32, #tpu.memory_space<vmem>> -> memref<1x64x128xf32, #tpu.memory_space<vmem>>
    %dma_wait3A_335 = tpu.memref_squeeze %dma_wait3A_334 : memref<1x64x128xf32, #tpu.memory_space<vmem>> -> memref<64x128xf32, #tpu.memory_space<vmem>>
    tpu.wait_dma2 semaphore(%dma_wait3A_329 : memref<!tpu.dma_semaphore, #tpu.memory_space<semaphore_mem>>) src(%dma_wait3A_335 : memref<64x128xf32, #tpu.memory_space<vmem>>) dst(%dma_wait3A_331 : memref<64x128xf32, #tpu.memory_space<hbm>>)
    return
  }
}

module attributes {stable_mosaic.version = 14 : i64} {
  func.func @_loss_body(%arg0: i32, %arg1: memref<4096x128xf32, #tpu.memory_space<vmem>>, %arg2: memref<1x1x4096xi32, #tpu.memory_space<vmem>>, %arg3: memref<1x1xf32, #tpu.memory_space<smem>>) attributes {dimension_semantics = [#tpu.dimension_semantics<arbitrary>], iteration_bounds = array<i64: 50>, scalar_prefetch = 0 : i64, scratch_operands = 0 : i64, tpu.core_type = #tpu.core_type<tc>, window_params = [{transform_indices = @transform_0, window_bounds = array<i64: 4096, 128>}, {transform_indices = @transform_1, window_bounds = array<i64: 1, 1, 4096>}, {transform_indices = @transform_2, window_bounds = array<i64: 1, 1>}]} {
    %get3A = arith.constant 0 : index
    %get3A_0 = arith.constant 0 : index
    %get3A_1 = vector.load %arg1[%get3A, %get3A_0] : memref<4096x128xf32, #tpu.memory_space<vmem>>, vector<4096x128xf32>
    %exp3A = math.exp %get3A_1 : vector<4096x128xf32>
    %broadcast_in_dim3A = arith.constant 1.000000e+00 : f32
    %broadcast_in_dim3A_2 = vector.broadcast %broadcast_in_dim3A : f32 to vector<128x128xf32>
    %dot_general3A = arith.constant dense<0.000000e+00> : vector<4096x128xf32>
    %dot_general3A_3 = tpu.matmul %exp3A, %broadcast_in_dim3A_2, %dot_general3A {dimension_numbers = #tpu.dot_dimension_numbers<[1], [0], [0], [1], [0, 0, 1, 1], [], []>, transpose_lhs_hint = false} : vector<4096x128xf32>, vector<128x128xf32>, vector<4096x128xf32> -> vector<4096x128xf32>
    %get3A_4 = arith.constant 0 : index
    %get3A_5 = arith.constant 0 : index
    %get3A_6 = arith.constant 0 : index
    %get3A_7 = vector.load %arg2[%get3A_4, %get3A_5, %get3A_6] : memref<1x1x4096xi32, #tpu.memory_space<vmem>>, vector<1x1x4096xi32>
    %get3A_8 = vector.shape_cast %get3A_7 : vector<1x1x4096xi32> to vector<4096xi32>
    %iota3A = tpu.iota {dimensions = array<i32: 1>} : vector<4096x128xi32>
    %broadcast_in_dim3A_9 = vector.shape_cast %get3A_8 : vector<4096xi32> to vector<4096x1xi32>
    %eq3A = vector.broadcast %broadcast_in_dim3A_9 : vector<4096x1xi32> to vector<4096x128xi32>
    %eq3A_10 = arith.cmpi eq, %iota3A, %eq3A : vector<4096x128xi32>
    %jit3A = arith.constant 0.000000e+00 : f32
    %broadcast_in_dim3A_11 = vector.broadcast %jit3A : f32 to vector<4096x128xf32>
    %select_n3A = arith.select %eq3A_10, %get3A_1, %broadcast_in_dim3A_11 : vector<4096x128xi1>, vector<4096x128xf32>
    %log3A = math.log %dot_general3A_3 : vector<4096x128xf32>
    %reduce_sum3A = vector.shape_cast %log3A : vector<4096x128xf32> to vector<1x4096x128xf32>
    %reduce_sum3A_12 = arith.constant dense<0.000000e+00> : vector<1xf32>
    %reduce_sum3A_13 = vector.multi_reduction <add>, %reduce_sum3A, %reduce_sum3A_12 [1, 2] : vector<1x4096x128xf32> to vector<1xf32>
    %reduce_sum3A_14 = vector.shape_cast %reduce_sum3A_13 : vector<1xf32> to vector<1x1x1xf32>
    %reduce_sum3A_15 = vector.extract %reduce_sum3A_14[0, 0, 0] : f32 from vector<1x1x1xf32>
    %mul3A = arith.constant 7.812500e-03 : f32
    %mul3A_16 = arith.mulf %reduce_sum3A_15, %mul3A : f32
    %reduce_sum3A_17 = vector.shape_cast %select_n3A : vector<4096x128xf32> to vector<1x4096x128xf32>
    %reduce_sum3A_18 = arith.constant dense<0.000000e+00> : vector<1xf32>
    %reduce_sum3A_19 = vector.multi_reduction <add>, %reduce_sum3A_17, %reduce_sum3A_18 [1, 2] : vector<1x4096x128xf32> to vector<1xf32>
    %reduce_sum3A_20 = vector.shape_cast %reduce_sum3A_19 : vector<1xf32> to vector<1x1x1xf32>
    %reduce_sum3A_21 = vector.extract %reduce_sum3A_20[0, 0, 0] : f32 from vector<1x1x1xf32>
    %sub3A = arith.subf %mul3A_16, %reduce_sum3A_21 : f32
    %eq3A_22 = arith.constant 0 : i32
    %eq3A_23 = arith.cmpi eq, %arg0, %eq3A_22 : i32
    %convert_element_type3A = arith.extui %eq3A_23 : i1 to i32
    %cond3A = arith.constant 0 : i32
    %cond3A_24 = arith.cmpi ne, %convert_element_type3A, %cond3A : i32
    scf.if %cond3A_24 {
      %swap3A_35 = arith.constant 0.000000e+00 : f32
      %swap3A_36 = arith.constant 0 : index
      %swap3A_37 = arith.constant 0 : index
      %swap3A_38 = memref.load %arg3[%swap3A_36, %swap3A_37] : memref<1x1xf32, #tpu.memory_space<smem>>
      memref.store %swap3A_35, %arg3[%swap3A_36, %swap3A_37] : memref<1x1xf32, #tpu.memory_space<smem>>
    } else {
    }
    %get3A_25 = arith.constant 0 : index
    %get3A_26 = arith.constant 0 : index
    %get3A_27 = memref.load %arg3[%get3A_25, %get3A_26] : memref<1x1xf32, #tpu.memory_space<smem>>
    %add3A = arith.addf %get3A_27, %sub3A : f32
    %swap3A = arith.constant 0 : index
    %swap3A_28 = arith.constant 0 : index
    %swap3A_29 = memref.load %arg3[%swap3A, %swap3A_28] : memref<1x1xf32, #tpu.memory_space<smem>>
    memref.store %add3A, %arg3[%swap3A, %swap3A_28] : memref<1x1xf32, #tpu.memory_space<smem>>
    %eq3A_30 = arith.constant 49 : i32
    %eq3A_31 = arith.cmpi eq, %arg0, %eq3A_30 : i32
    %convert_element_type3A_32 = arith.extui %eq3A_31 : i1 to i32
    %cond3A_33 = arith.constant 0 : i32
    %cond3A_34 = arith.cmpi ne, %convert_element_type3A_32, %cond3A_33 : i32
    scf.if %cond3A_34 {
      %get3A_35 = arith.constant 0 : index
      %get3A_36 = arith.constant 0 : index
      %get3A_37 = memref.load %arg3[%get3A_35, %get3A_36] : memref<1x1xf32, #tpu.memory_space<smem>>
      %div3A = arith.constant 2.048000e+05 : f32
      %div3A_38 = arith.divf %get3A_37, %div3A : f32
      %swap3A_39 = arith.constant 0 : index
      %swap3A_40 = arith.constant 0 : index
      %swap3A_41 = memref.load %arg3[%swap3A_39, %swap3A_40] : memref<1x1xf32, #tpu.memory_space<smem>>
      memref.store %div3A_38, %arg3[%swap3A_39, %swap3A_40] : memref<1x1xf32, #tpu.memory_space<smem>>
    } else {
    }
    return
  }
  func.func @transform_0(%arg0: i32) -> (i32, i32) {
    %c0_i32 = arith.constant 0 : i32
    %c0_i32_0 = arith.constant 0 : i32
    return %arg0, %c0_i32 : i32, i32
  }
  func.func @transform_1(%arg0: i32) -> (i32, i32, i32) {
    %c0_i32 = arith.constant 0 : i32
    %c0_i32_0 = arith.constant 0 : i32
    %c0_i32_1 = arith.constant 0 : i32
    return %arg0, %c0_i32, %c0_i32_0 : i32, i32, i32
  }
  func.func @transform_2(%arg0: i32) -> (i32, i32) {
    %c0_i32 = arith.constant 0 : i32
    %c0_i32_0 = arith.constant 0 : i32
    %c0_i32_1 = arith.constant 0 : i32
    return %c0_i32, %c0_i32_0 : i32, i32
  }
}

</mosaic_0001>

<sc_bundles>
// kernel: kernel.4.cloned.1.call-start
scs
__scs_entry_jumppad:
0x0: {  	(pc) =	sbr.rel $0x88, $3  }
0x1: {  	(tag) =	ssettag $0x0;
	lr =	simm.s32 $0x1  }
0x2: {  	[smem:$0x3F9E] =	sst lr;
	_ =	strace $0xD0000000  }
0x3: {  	_ = 	snop  }
0x4: {  	_ = 	snop  }
0x5: {  	_ = 	snop  }
0x6: {  	_ = 	snop  }
0x7: {  	_ = 	snop  }
__scs_overlays_trampoline_lowered:
0x8: {  	[smem:$0x3FAD] =	sst s0  }
0x9: {  	[smem:$0x3FAE] =	sst s1  }
0xa: {  	[smem:$0x3FAF] =	sst s2  }
0xb: {  	[smem:$0x3FB0] =	sst s3  }
0xc: {  	[smem:$0x3FB1] =	sst s4  }
0xd: {  	[smem:$0x3FB2] =	sst s5  }
0xe: {  	[smem:$0x3FB3] =	sst s6  }
0xf: {  	[smem:$0x3FB4] =	sst s7  }
0x10: {  	[smem:$0x3FB5] =	sst s8  }
0x11: {  	[smem:$0x3FB6] =	sst s9;
	s0 =	simm.s32 @!p0 $0x0  }
0x12: {  	s1 =	sld [smem:$0x3F9C];
	s0 =	simm.s32 @p0 $0x1  }
0x13: {  	[smem:$0x3FB7] =	sst s0;
	s0 =	simm.s32 @!p1 $0x0  }
0x14: {  	s2 =	sld [smem:$0x3F9B];
	s0 =	simm.s32 @p1 $0x1  }
0x15: {  	[smem:$0x3FB8] =	sst s0;
	s0 =	simm.s32 @!p2 $0x0  }
0x16: {  	s3 =	sld [smem:$0x3FDB];
	s0 =	simm.s32 @p2 $0x1  }
0x17: {  	s4 =	simm.s32 $0x1BF5;
	[smem:$0x3FBA] =	sst s0  }
0x18: {  	s0 =	sld [smem:$0x3F9D];
	_ =	swait.ge [sflag:s4], $0x0  }
0x19: {  	s7 =	sld [smem:$0x3F9E]  }
0x1a: {  	s8 =	sadd.s32 $0xFFFFE003, lr  }
0x1b: {  	s9 =	sadd.s32 $0xFFFFFEF7, lr;
	s5 =	simm.s32 $0xFFFFFFFF;
	p2 =	slt.u32 s8, $0xFFFFF086  }
0x1c: {  	p1 =	slt.u32 s9, $0xF7A;
	s5 =	simm.s32 @!p2 $0x0  }
0x1d: {  	s5 =	simm.s32 @p1 $0x1;
	p0 =	seq.s32 s7, s2  }
0x1e: {  	s7 =	smul.u32 @!p0 $0xF7A, s2;
	p2 =	seq.s32 @!p0 s5, $0x0  }
0x1f: {  	s9 =	smul.u32 $0xF7A, s1;
	s8 =	simm.s32 @!p0 $0x1BF5;
	p2 =	por !p2, p0  }
0x20: {  	[sflag:s8] =	ssyncset.s32 @!p0 $0xFFFFF086;
	s6 =	sadd.s32 @!p0 s3, s7;
	s7 =	simm.s32 @!p0 $0x108  }
0x21: {  	s3 =	sadd.s32 s3, s9;
	s6 =	sadd.s32 @!p0 $0x88, s6;
	s7 =	simm.s32 @p2 $0x1082  }
0x22: {  	[simem:s7], [sflag:s8] =	dma.local @!p0 [hbm:s6], $0xF7A  }
0x23: {  	s9 =	sor.u32 $0xD0000000, s2;
	s6 =	simm.s32 $0x108;
	_ =	swait.ge @!p0 [sflag:s8], $0x0  }
0x24: {  	s3 =	sadd.s32 $0x88, s3;
	s6 =	simm.s32 @!p1 $0x1082;
	[sflag:s4] =	ssyncset.s32 $0xFFFFF086  }
0x25: {  	[simem:s6], [sflag:s4] =	dma.local [hbm:s3], $0xF7A  }
0x26: {  	[smem:$0x3F9E] =	sst s1;
	(tag) =	ssettag s2;
	_ =	strace s9  }
0x27: {  	s1 =	sld [smem:$0x3FAE]  }
0x28: {  	s2 =	sld [smem:$0x3FAF]  }
0x29: {  	s4 =	sld [smem:$0x3FB1]  }
0x2a: {  	p0 =	seq.s32 s5, $0x0;
	s5 =	sld [smem:$0x3FB2]  }
0x2b: {  	s6 =	sld [smem:$0x3FB3]  }
0x2c: {  	s7 =	sld [smem:$0x3FB4]  }
0x2d: {  	s3 =	simm.s32 $0x108;
	s8 =	sld [smem:$0x3FB5]  }
0x2e: {  	s3 =	simm.s32 @!p0 $0x1082;
	s9 =	sld [smem:$0x3FB6]  }
0x2f: {  	lr =	sadd.s32 s0, s3;
	s0 =	sld [smem:$0x3FAD]  }
0x30: {  	s3 =	sld [smem:$0x3FB0]  }
0x31: {  	[smem:$0x3FB9] =	sst s10  }
0x32: {  	s10 =	sld [smem:$0x3FB7];
	_ =	sdelay $0x3  }
0x33: {  	p0 =	seq.s32 s10, $0x1;
	s10 =	sld [smem:$0x3FB9];
	_ =	sdelay $0x3  }
0x34: {  	[smem:$0x3FB9] =	sst s10  }
0x35: {  	s10 =	sld [smem:$0x3FB8];
	_ =	sdelay $0x3  }
0x36: {  	p1 =	seq.s32 s10, $0x1;
	s10 =	sld [smem:$0x3FB9];
	_ =	sdelay $0x3  }
0x37: {  	[smem:$0x3FB9] =	sst s10  }
0x38: {  	s10 =	sld [smem:$0x3FBA]  }
0x39: {  	_ = 	snop;
	(pc) =	sbr.ind lr, $3  }
0x3a: {  	_ = 	snop  }
0x3b: {  	_ = 	snop  }
0x3c: {  	p2 =	seq.s32 s10, $0x1;
	s10 =	sld [smem:$0x3FB9]  }
0x3d: {  	_ =	shalt  }
0x3e: {  	_ =	shalt  }
0x3f: {  	_ =	shalt  }
0x40: {  	_ =	shalt  }
0x41: {  	_ =	shalt  }
0x42: {  	_ =	shalt  }
0x43: {  	_ =	shalt  }
0x44: {  	_ =	shalt  }
0x45: {  	_ =	shalt  }
0x46: {  	_ =	shalt  }
0x47: {  	_ =	shalt  }
0x48: {  	_ =	shalt  }
0x49: {  	_ =	shalt  }
0x4a: {  	_ =	shalt  }
0x4b: {  	_ =	shalt  }
0x4c: {  	_ =	shalt  }
0x4d: {  	_ =	shalt  }
0x4e: {  	_ =	shalt  }
0x4f: {  	_ =	shalt  }
0x50: {  	_ =	shalt  }
0x51: {  	_ =	shalt  }
0x52: {  	_ =	shalt  }
0x53: {  	_ =	shalt  }
0x54: {  	_ =	shalt  }
0x55: {  	_ =	shalt  }
0x56: {  	_ =	shalt  }
0x57: {  	_ =	shalt  }
0x58: {  	_ =	shalt  }
0x59: {  	_ =	shalt  }
0x5a: {  	_ =	shalt  }
0x5b: {  	_ =	shalt  }
0x5c: {  	_ =	shalt  }
0x5d: {  	_ =	shalt  }
0x5e: {  	_ =	shalt  }
0x5f: {  	_ =	shalt  }
0x60: {  	_ =	shalt  }
0x61: {  	_ =	shalt  }
0x62: {  	_ =	shalt  }
0x63: {  	_ =	shalt  }
0x64: {  	_ =	shalt  }
0x65: {  	_ =	shalt  }
0x66: {  	_ =	shalt  }
0x67: {  	_ =	shalt  }
0x68: {  	_ =	shalt  }
0x69: {  	_ =	shalt  }
0x6a: {  	_ =	shalt  }
0x6b: {  	_ =	shalt  }
0x6c: {  	_ =	shalt  }
0x6d: {  	_ =	shalt  }
0x6e: {  	_ =	shalt  }
0x6f: {  	_ =	shalt  }
0x70: {  	_ =	shalt  }
0x71: {  	_ =	shalt  }
0x72: {  	_ =	shalt  }
0x73: {  	_ =	shalt  }
0x74: {  	_ =	shalt  }
0x75: {  	_ =	shalt  }
0x76: {  	_ =	shalt  }
0x77: {  	_ =	shalt  }
0x78: {  	_ =	shalt  }
0x79: {  	_ =	shalt  }
0x7a: {  	_ =	shalt  }
0x7b: {  	_ =	shalt  }
0x7c: {  	_ =	shalt  }
0x7d: {  	_ =	shalt  }
0x7e: {  	_ =	shalt  }
0x7f: {  	_ =	shalt  }
0x80: {  	_ =	shalt  }
0x81: {  	_ =	shalt  }
0x82: {  	_ =	shalt  }
0x83: {  	_ =	shalt  }
0x84: {  	_ =	shalt  }
0x85: {  	_ =	shalt  }
0x86: {  	_ =	shalt  }
0x87: {  	_ =	shalt  }
.Lfunc_end0:
.L_simem_size_0:
called_computation_lowered:
.L_overlay_start_0:
0x88: {  	s2 =	sld [smem:$0x3FD9]  }
0x89: {  	s3 =	sld [smem:$0x3FFE];
	_ =	sdelay $0x1  }
0x8a: {  	s1 =	srdreg.scid  }
0x8b: {  	s0 =	sand.u32 $0x1, s1  }
0x8c: {  	s14 =	sshll.u32 s0, $0xA;
	s2 =	sadd.s32 s3, s2  }
0x8d: {  	s2 =	sadd.s32 s2, s14  }
0x8e: {  	[smem:$0x3FC5] =	sst s2  }
0x8f: {  	_ = 	snop  }
0x90: {  	s2 =	sld [smem:$0x3FD0];
	_ =	sdelay $0x2  }
0x91: {  	s4 =	simm.s32 $0xA;
	s5 =	simm.s32 $0x10;
	s15 =	sld [smem:$0x3FC7]  }
0x92: {  	[smem:s5], [sflag:s4] =	dma.local [hbm:s2], $0x1  }
0x93: {  	_ =	swait.eq [sflag:s4], $0x1  }
0x94: {  	[sflag:s4] =	ssyncset.done $0x0  }
0x95: {  	[sflag:s4] =	ssyncadd.s32 $0xFFFFFFFF  }
0x96: {  	s16 =	sld [smem:$0x10];
	(tm) =	ssettm $0x1  }
0x97: {  	s17 =	sld [smem:$0x3FFB];
	_ =	sdelay $0x3  }
0x98: {  	_ =	strace s17  }
0x99: {  	s4 =	sld [smem:$0x3FFC];
	_ =	sdelay $0x3  }
0x9a: {  	_ =	strace s4  }
0x9b: {  	s4 =	sld [smem:$0x3FFD];
	_ =	sdelay $0x3  }
0x9c: {  	_ =	strace s4  }
0x9d: {  	_ =	strace $0x8FFFFFFF  }
0x9e: {  	s18 =	sld [smem:$0x3FDB];
	_ =	sdelay $0x1  }
0x9f: {  	s19 =	simm.s32 $_scs_section_size  }
0xa0: {  	s6 =	simm.s32 $_size__tile_overlayer_lowered;
	s7 =	simm.s32 $_tile_overlayer_lowered  }
0xa1: {  	s22 =	simm.s32 $0x1BFF;
	s21 =	sshll.u32 s7, $0x1;
	s4 =	sadd.s32 s19, s18  }
0xa2: {  	s8 =	simm.s32 $0x0;
	s20 =	sshll.u32 s6, $0x1;
	s6 =	sadd.s32 s21, s4  }
0xa3: {  	[timem:s8], [sflag:s22] =	dma.local [hbm:s6], s20  }
0xa4: {  	_ =	swait.ge [sflag:s22], s20  }
0xa5: {  	s5 =	ssub.s32 $0x0, s20;
	[sflag:s22] =	ssyncset.done $0x0  }
0xa6: {  	[sflag:s22] =	ssyncadd.s32 s5;
	_ =	sdelay $0x1  }
0xa7: {  	s23 =	simm.s32 $0x1B8B  }
0xa8: {  	_ =	swait.ge [sflag:s23], $0x1  }
0xa9: {  	[sflag:s23] =	ssyncset.done $0x0  }
0xaa: {  	s25 =	simm.s32 $0x1B8E;
	s24 =	sld [smem:$0x3FFE];
	[sflag:s23] =	ssyncadd.s32 $0xFFFFFFFF  }
0xab: {  	s26 =	simm.s32 $execute0_lowered;
	[smem:$0x3FD2] =	sst s25  }
0xac: {  	s6 =	sshll.u32 s26, $0x1;
	_ =	strace $0x80000046;
	[dreg:$0x1] =	wrdreg $0xFFFFFFFF  }
0xad: {  	s28 =	simm.s32 $_size_execute0_lowered;
	s4 =	sadd.s32 s4, s6;
	[dreg:$0x0] =	wrdreg $0x0  }
0xae: {  	s6 =	sshll.u32 s28, $0x1;
	[dreg:$0x2] =	wrdreg s4  }
0xaf: {  	[dreg:$0x3] =	wrdreg s6  }
0xb0: {  	[dreg:$0x4] =	wrdreg $0xC0  }
0xb1: {  	_ =	task [dreg:s8], $0x5FFFF  }
0xb2: {  	[dreg:$0x1] =	wrdreg $0xFFFFFFFF  }
0xb3: {  	[dreg:$0x0] =	wrdreg $0x60  }
0xb4: {  	[dreg:$0x2] =	wrdreg s15  }
0xb5: {  	[dreg:$0x3] =	wrdreg s24  }
0xb6: {  	[dreg:$0x4] =	wrdreg s16  }
0xb7: {  	[dreg:$0x5] =	wrdreg $0x9  }
0xb8: {  	_ =	task.clear_ibuf [dreg:s8], $0x6FFFF;
	_ =	strace $0x90000046  }
0xb9: {  	s29 =	simm.s32 $0x9;
	_ =	strace $0x80000048  }
0xba: {  	_ =	swait.ge [sflag:s29], $0x1  }
0xbb: {  	[sflag:s29] =	ssyncadd.s32 $0xFFFFFFFF  }
0xbc: {  	_ =	strace $0x90000048  }
0xbd: {  	_ =	sfence  }
0xbe: {  	s30 =	sld [smem:$0x0];
	_ =	sdelay $0x2  }
0xbf: {  	s31 =	sshll.u32 s1, $0xD;
	s1 =	sshrl.u32 s1, $0x2  }
0xc0: {  	s3 =	sand.u32 $0x4000, s31;
	s1 =	sadd.s32 s1, s30  }
0xc1: {  	s0 =	sor.u32 s3, s0;
	s1 =	sshll.u32 s1, $0x11  }
0xc2: {  	s0 =	sor.u32 s1, s0  }
0xc3: {  	s0 =	sadd.s32 $0x8F2B, s0  }
0xc4: {  	[sflag:s0] =	ssyncadd.remote.s32 $0x1  }
0xc5: {  	_ =	sfence.sel $0xFFFF  }
0xc6: {  	[dreg:$0x0] =	wrdreg $0xFFFFFFFF;
	(pc) =	sbr.abs _section_cstart, $3  }
0xc7: {  	[dreg:$0x1] =	wrdreg $0xFFFFFFFF  }
0xc8: {  	_ =	task.clear_ibuf [dreg:s8], $0x2FFFF;
	_ =	strace $0x9FFFFFFF  }
0xc9: {  	(tm) =	ssettm $0x7FFFFFFF  }
tec
execute0_lowered:
.L_overlay_start_1:
0x0: {  	(tag) =	ssettag $0x1  }
0x1: {  	s1 =	rddreg [dreg:$0x0]  }
0x2: {  	s0 =	rddreg [dreg:$0x1]  }
0x3: {  	s2 =	srdreg.scid;
	s9 =	stileid.u32  }
0x4: {  	s4 =	rddreg [dreg:$0x2];
	s13 =	simm.s32 $0x40;
	s14 =	simm.s32 $0x3400  }
0x5: {  	s18 =	simm.s32 $0x7400;
	s22 =	simm.s32 $0xB400;
	s31 =	simm.s32 $0x13400  }
0x6: {  	s15 =	simm.s32 $0x1;
	s16 =	simm.s32 $0x3;
	s17 =	simm.s32 $0x5  }
0x7: {  	s19 =	simm.s32 $0x7;
	s20 =	simm.s32 $0x9;
	s21 =	simm.s32 $0xA  }
0x8: {  	s10 =	simm.s32 $0x14;
	s2 =	sand.u32 $0x1, s2;
	s3 =	sshll.u32 s9, $0x1  }
0x9: {  	s11 =	simm.s32 $0x0;
	s29 =	smul.u32 $0x32000, s9;
	s5 =	sor.u32 s2, s3  }
0xa: {  	s3 =	simm.s32 $0x0;
	s7 =	ssub.s32 $0x2, s2;
	s6 =	smul.u32 $0x680, s5  }
0xb: {  	[smem:$0x7FF] =	sst s3;
	s8 =	sshrl.u32 s7, $0x1;
	s5 =	smul.u32 $0x19000, s5  }
0xc: {  	s2 =	smul.u32 $0x19000, s2;
	_ =	strace $0x80000047;
	s26 =	ssub.s32 s7, s8  }
0xd: {  	s0 =	sadd.s32 s6, s0;
	s28 =	sadd.s32 s4, s5;
	s6 =	smax.u32 s26, $0x1  }
0xe: {  	s4 =	sadd.s32 s29, s4;
	s26 =	simm.s32 $0xF400;
	s5 =	simm.s32 $0x13  }
.Ltmp0:
0xf: {  	s0 =	sadd.s32 $0x600, s0;
	[dreg:$0x5] =	wrdreg s6;
	(pc) =	sbr.rel .LBB2_1-.Ltmp0, $4  }
0x10: {  	s6 =	sadd.s32 $0x16C00, s28;
	s7 =	sadd.s32 $0x17400, s28;
	s8 =	sadd.s32 $0x17C00, s28  }
0x11: {  	s30 =	sadd.s32 s2, s4;
	[dreg:$0x4] =	wrdreg s0;
	s0 =	sadd.s32 $0x18C00, s28  }
0x12: {  	s9 =	sadd.s32 $0x18400, s28;
	[dreg:$0x6] =	wrdreg s0;
	s0 =	sadd.s32 $0x2400, s30  }
0x13: {  	s4 =	simm.s32 $0x12;
	[dreg:$0x7] =	wrdreg s0;
	s0 =	simm.s32 $0x15400  }
.LBB2_4:
0x14: {  	_ =	swait.ge [sflag:s21], $0x2000  }
0x15: {  	[sflag:s21] =	ssyncset.done $0x0  }
0x16: {  	s30 =	simm.s32 $0xB;
	s2 =	rddreg [dreg:$0x6];
	[sflag:s21] =	ssyncadd.s32 $0xFFFFE000  }
0x17: {  	[hbm4b:s2+s3] =	stream.linear.scatter [tilespmem:s0], [sflag:$0x14], $0x2000, $0x38;
	[tilespmem:$0x17400] =	vst v63  }
0x18: {  	_ =	swait.ge [sflag:s30], $0x2000  }
0x19: {  	[sflag:s30] =	ssyncset.done $0x0  }
0x1a: {  	s12 =	simm.s32 $0xC;
	[sflag:s30] =	ssyncadd.s32 $0xFFFFE000  }
0x1b: {  	_ =	swait.ge [sflag:s12], $0x2000  }
0x1c: {  	[sflag:s12] =	ssyncset.done $0x0  }
0x1d: {  	s23 =	simm.s32 $0xD;
	[sflag:s12] =	ssyncadd.s32 $0xFFFFE000  }
0x1e: {  	_ =	swait.ge [sflag:s23], $0x2000  }
0x1f: {  	[sflag:s23] =	ssyncset.done $0x0  }
0x20: {  	s24 =	simm.s32 $0xE;
	[sflag:s23] =	ssyncadd.s32 $0xFFFFE000  }
0x21: {  	_ =	swait.ge [sflag:s24], $0x2000  }
0x22: {  	[sflag:s24] =	ssyncset.done $0x0  }
0x23: {  	s25 =	simm.s32 $0xF;
	[sflag:s24] =	ssyncadd.s32 $0xFFFFE000  }
0x24: {  	_ =	swait.ge [sflag:s25], $0x2000  }
0x25: {  	[sflag:s25] =	ssyncset.done $0x0  }
0x26: {  	s28 =	simm.s32 $0x10;
	[sflag:s25] =	ssyncadd.s32 $0xFFFFE000  }
0x27: {  	_ =	swait.ge [sflag:s28], $0x2000  }
0x28: {  	[sflag:s28] =	ssyncset.done $0x0  }
0x29: {  	s29 =	simm.s32 $0x11;
	[sflag:s28] =	ssyncadd.s32 $0xFFFFE000  }
0x2a: {  	_ =	swait.ge [sflag:s29], $0x2000  }
0x2b: {  	[sflag:s29] =	ssyncset.done $0x0  }
0x2c: {  	[sflag:s29] =	ssyncadd.s32 $0xFFFFE000  }
0x2d: {  	_ =	swait.ge [sflag:s4], $0x2000  }
0x2e: {  	[sflag:s4] =	ssyncset.done $0x0  }
0x2f: {  	[sflag:s4] =	ssyncadd.s32 $0xFFFFE000  }
0x30: {  	_ =	swait.ge [sflag:s5], $0x2000  }
0x31: {  	[sflag:s5] =	ssyncset.done $0x0  }
0x32: {  	[sflag:s5] =	ssyncadd.s32 $0xFFFFE000  }
0x33: {  	_ =	swait.ge [sflag:s10], $0x2000  }
0x34: {  	s11 =	sadd.s32 $0x1, s11;
	s30 =	rddreg [dreg:$0x5]  }
0x35: {  	p0 =	sne.s32 s11, s30  }
.Ltmp1:
0x36: {  	_ = 	snop;
	(pc) =	sbr.rel @!p0 .LBB2_5-.Ltmp1, $3  }
0x37: {  	_ =	sdelay $0x1  }
0x38: {  	[sflag:s10] =	ssyncset.done $0x0  }
0x39: {  	[sflag:s10] =	ssyncadd.s32 $0xFFFFE000  }
.LBB2_1:
0x3a: {  	s2 =	rddreg [dreg:$0x4];
	s23 =	simm.s32 $0x15  }
0x3b: {  	[tilespmem:s3], [sflag:$0x15] =	stream.linear.gather [hbm4b:s2+s3], $0x3200, $0x38;
	[tilespmem:$0x17400] =	vst v63  }
0x3c: {  	_ =	swait.ge [sflag:s23], $0x3200  }
0x3d: {  	[sflag:s23] =	ssyncset.done $0x0  }
0x3e: {  	[sflag:s23] =	ssyncadd.s32 $0xFFFFCE00  }
0x3f: {  	[tilespmem:s14], [sflag:$0x1] =	stream.indirect.gather [hbm4b:s1+s13], $0x80, s3, s13, $0xb8;
	[tilespmem:$0x17400] =	vst v63  }
0x40: {  	s24 =	simm.s32 $0x80;
	s12 =	simm.s32 $0x5400  }
0x41: {  	[tilespmem:s12], [sflag:$0x2] =	stream.indirect.gather [hbm4b:s1+s13], $0x80, s24, s13, $0xb8;
	[tilespmem:$0x17400] =	vst v63  }
0x42: {  	s25 =	simm.s32 $0x100  }
0x43: {  	[tilespmem:s18], [sflag:$0x3] =	stream.indirect.gather [hbm4b:s1+s13], $0x80, s25, s13, $0xb8;
	[tilespmem:$0x17400] =	vst v63  }
0x44: {  	s28 =	simm.s32 $0x180;
	s29 =	simm.s32 $0x9400  }
0x45: {  	[tilespmem:s29], [sflag:$0x4] =	stream.indirect.gather [hbm4b:s1+s13], $0x80, s28, s13, $0xb8;
	[tilespmem:$0x17400] =	vst v63  }
0x46: {  	s30 =	simm.s32 $0x200  }
0x47: {  	[tilespmem:s22], [sflag:$0x5] =	stream.indirect.gather [hbm4b:s1+s13], $0x80, s30, s13, $0xb8;
	[tilespmem:$0x17400] =	vst v63  }
0x48: {  	s23 =	simm.s32 $0xD400;
	s12 =	simm.s32 $0x280  }
0x49: {  	[tilespmem:s23], [sflag:$0x6] =	stream.indirect.gather [hbm4b:s1+s13], $0x80, s12, s13, $0xb8;
	[tilespmem:$0x17400] =	vst v63  }
0x4a: {  	s24 =	simm.s32 $0x300  }
0x4b: {  	[tilespmem:s26], [sflag:$0x7] =	stream.indirect.gather [hbm4b:s1+s13], $0x80, s24, s13, $0xb8;
	[tilespmem:$0x17400] =	vst v63  }
0x4c: {  	s25 =	simm.s32 $0x380;
	s28 =	simm.s32 $0x11400  }
0x4d: {  	[tilespmem:s28], [sflag:$0x8] =	stream.indirect.gather [hbm4b:s1+s13], $0x80, s25, s13, $0xb8;
	[tilespmem:$0x17400] =	vst v63  }
0x4e: {  	s29 =	simm.s32 $0x400  }
0x4f: {  	[tilespmem:s31], [sflag:$0x9] =	stream.indirect.gather [hbm4b:s1+s13], $0x80, s29, s13, $0xb8;
	[tilespmem:$0x17400] =	vst v63  }
0x50: {  	s30 =	simm.s32 $0x480;
	s12 =	rddreg [dreg:$0x7];
	s23 =	simm.s32 $0x0  }
0x51: {  	[tilespmem:s0], [sflag:$0xA] =	stream.indirect.gather [hbm4b:s1+s13], $0x80, s30, s13, $0xb8;
	[tilespmem:$0x17400] =	vst v63  }
.LBB2_2:
0x52: {  	_ =	swait.ge [sflag:s15], $0x2000  }
0x53: {  	[sflag:s15] =	ssyncset.done $0x0  }
0x54: {  	s24 =	sadd.s32 $0xFFFFDC00, s12;
	p0 =	seq.s32 s23, $0xB400;
	[sflag:s15] =	ssyncadd.s32 $0xFFFFE000  }
0x55: {  	[hbm4b:s24+s3] =	stream.linear.scatter [tilespmem:s14], [sflag:$0xB], $0x2000, $0x38;
	[tilespmem:$0x17400] =	vst v63  }
0x56: {  	s24 =	simm.s32 @p0 $0x2  }
0x57: {  	_ =	swait.ge @p0 [sflag:s24], $0x2000  }
0x58: {  	[sflag:s24] =	ssyncset.done @p0 $0x0  }
0x59: {  	s28 =	simm.s32 @p0 $0x0;
	[sflag:s24] =	ssyncadd.s32 @p0 $0xFFFFE000;
	s24 =	simm.s32 @p0 $0x5400  }
0x5a: {  	[hbm4b:s6+s28] =	stream.linear.scatter @p0 [tilespmem:s24], [sflag:$0xC], $0x2000, $0x38;
	[tilespmem:$0x17400] =	vst v63  }
0x5b: {  	s24 =	simm.s32 @!p0 $0xB  }
0x5c: {  	_ =	swait.ge @!p0 [sflag:s24], $0x2000  }
0x5d: {  	[sflag:s24] =	ssyncset.done @!p0 $0x0  }
0x5e: {  	[sflag:s24] =	ssyncadd.s32 @!p0 $0xFFFFE000;
	s24 =	sshra.s32 @!p0 s23, $0x2  }
0x5f: {  	s25 =	simm.s32 @!p0 $0x40;
	s30 =	simm.s32 @!p0 $0x3400;
	s29 =	sadd.s32 @!p0 $0x500, s24  }
0x60: {  	[tilespmem:s30], [sflag:$0x1] =	stream.indirect.gather @!p0 [hbm4b:s1+s25], $0x80, s29, s25, $0xb8;
	[tilespmem:$0x17400] =	vst v63  }
0x61: {  	s29 =	simm.s32 @!p0 $0x2  }
0x62: {  	_ =	swait.ge @!p0 [sflag:s29], $0x2000  }
0x63: {  	s2 =	simm.s32 @!p0 $0x5400;
	[sflag:s29] =	ssyncset.done @!p0 $0x0  }
0x64: {  	s30 =	sadd.s32 @!p0 $0xFFFFE000, s12;
	[sflag:s29] =	ssyncadd.s32 @!p0 $0xFFFFE000;
	s29 =	simm.s32 @!p0 $0x0  }
0x65: {  	[hbm4b:s30+s29] =	stream.linear.scatter @!p0 [tilespmem:s2], [sflag:$0xC], $0x2000, $0x38;
	[tilespmem:$0x17400] =	vst v63  }
0x66: {  	s30 =	simm.s32 @!p0 $0xC  }
0x67: {  	_ =	swait.ge @!p0 [sflag:s30], $0x2000  }
0x68: {  	[sflag:s30] =	ssyncset.done @!p0 $0x0  }
0x69: {  	[sflag:s30] =	ssyncadd.s32 @!p0 $0xFFFFE000;
	s30 =	sadd.s32 @!p0 $0x580, s24  }
0x6a: {  	[tilespmem:s2], [sflag:$0x2] =	stream.indirect.gather @!p0 [hbm4b:s1+s25], $0x80, s30, s25, $0xb8;
	[tilespmem:$0x17400] =	vst v63  }
0x6b: {  	_ =	swait.ge [sflag:s16], $0x2000  }
0x6c: {  	[sflag:s16] =	ssyncset.done $0x0  }
0x6d: {  	s30 =	sadd.s32 $0xFFFFE400, s12;
	s2 =	simm.s32 @p0 $0x4;
	[sflag:s16] =	ssyncadd.s32 $0xFFFFE000  }
0x6e: {  	[hbm4b:s30+s3] =	stream.linear.scatter [tilespmem:s18], [sflag:$0xD], $0x2000, $0x38;
	[tilespmem:$0x17400] =	vst v63  }
0x6f: {  	_ =	swait.ge @p0 [sflag:s2], $0x2000  }
0x70: {  	[sflag:s2] =	ssyncset.done @p0 $0x0  }
0x71: {  	[sflag:s2] =	ssyncadd.s32 @p0 $0xFFFFE000;
	s2 =	simm.s32 @p0 $0x9400  }
0x72: {  	[hbm4b:s7+s28] =	stream.linear.scatter @p0 [tilespmem:s2], [sflag:$0xE], $0x2000, $0x38;
	[tilespmem:$0x17400] =	vst v63  }
0x73: {  	s2 =	simm.s32 @!p0 $0xD  }
0x74: {  	_ =	swait.ge @!p0 [sflag:s2], $0x2000  }
0x75: {  	[sflag:s2] =	ssyncset.done @!p0 $0x0  }
0x76: {  	s30 =	simm.s32 @!p0 $0x7400;
	[sflag:s2] =	ssyncadd.s32 @!p0 $0xFFFFE000;
	s2 =	sadd.s32 @!p0 $0x600, s24  }
0x77: {  	[tilespmem:s30], [sflag:$0x3] =	stream.indirect.gather @!p0 [hbm4b:s1+s25], $0x80, s2, s25, $0xb8;
	[tilespmem:$0x17400] =	vst v63  }
0x78: {  	s2 =	simm.s32 @!p0 $0x4  }
0x79: {  	_ =	swait.ge @!p0 [sflag:s2], $0x2000  }
0x7a: {  	[sflag:s2] =	ssyncset.done @!p0 $0x0  }
0x7b: {  	s30 =	simm.s32 @!p0 $0x9400;
	[sflag:s2] =	ssyncadd.s32 @!p0 $0xFFFFE000;
	s2 =	sadd.s32 @!p0 $0xFFFFE800, s12  }
0x7c: {  	[hbm4b:s2+s29] =	stream.linear.scatter @!p0 [tilespmem:s30], [sflag:$0xE], $0x2000, $0x38;
	[tilespmem:$0x17400] =	vst v63  }
0x7d: {  	s2 =	simm.s32 @!p0 $0xE  }
0x7e: {  	_ =	swait.ge @!p0 [sflag:s2], $0x2000  }
0x7f: {  	[sflag:s2] =	ssyncset.done @!p0 $0x0  }
0x80: {  	[sflag:s2] =	ssyncadd.s32 @!p0 $0xFFFFE000;
	s2 =	sadd.s32 @!p0 $0x680, s24  }
0x81: {  	[tilespmem:s30], [sflag:$0x4] =	stream.indirect.gather @!p0 [hbm4b:s1+s25], $0x80, s2, s25, $0xb8;
	[tilespmem:$0x17400] =	vst v63  }
0x82: {  	_ =	swait.ge [sflag:s17], $0x2000  }
0x83: {  	[sflag:s17] =	ssyncset.done $0x0  }
0x84: {  	s30 =	sadd.s32 $0xFFFFEC00, s12;
	s2 =	simm.s32 @p0 $0x6;
	[sflag:s17] =	ssyncadd.s32 $0xFFFFE000  }
0x85: {  	[hbm4b:s30+s3] =	stream.linear.scatter [tilespmem:s22], [sflag:$0xF], $0x2000, $0x38;
	[tilespmem:$0x17400] =	vst v63  }
0x86: {  	_ =	swait.ge @p0 [sflag:s2], $0x2000  }
0x87: {  	[sflag:s2] =	ssyncset.done @p0 $0x0  }
0x88: {  	[sflag:s2] =	ssyncadd.s32 @p0 $0xFFFFE000;
	s2 =	simm.s32 @p0 $0xD400  }
0x89: {  	[hbm4b:s8+s28] =	stream.linear.scatter @p0 [tilespmem:s2], [sflag:$0x10], $0x2000, $0x38;
	[tilespmem:$0x17400] =	vst v63  }
0x8a: {  	s2 =	simm.s32 @!p0 $0xF  }
0x8b: {  	_ =	swait.ge @!p0 [sflag:s2], $0x2000  }
0x8c: {  	[sflag:s2] =	ssyncset.done @!p0 $0x0  }
0x8d: {  	s30 =	simm.s32 @!p0 $0xB400;
	[sflag:s2] =	ssyncadd.s32 @!p0 $0xFFFFE000;
	s2 =	sadd.s32 @!p0 $0x700, s24  }
0x8e: {  	[tilespmem:s30], [sflag:$0x5] =	stream.indirect.gather @!p0 [hbm4b:s1+s25], $0x80, s2, s25, $0xb8;
	[tilespmem:$0x17400] =	vst v63  }
0x8f: {  	s2 =	simm.s32 @!p0 $0x6  }
0x90: {  	_ =	swait.ge @!p0 [sflag:s2], $0x2000  }
0x91: {  	[sflag:s2] =	ssyncset.done @!p0 $0x0  }
0x92: {  	s30 =	simm.s32 @!p0 $0xD400;
	[sflag:s2] =	ssyncadd.s32 @!p0 $0xFFFFE000;
	s2 =	sadd.s32 @!p0 $0xFFFFF000, s12  }
0x93: {  	[hbm4b:s2+s29] =	stream.linear.scatter @!p0 [tilespmem:s30], [sflag:$0x10], $0x2000, $0x38;
	[tilespmem:$0x17400] =	vst v63  }
0x94: {  	s2 =	simm.s32 @!p0 $0x10  }
0x95: {  	_ =	swait.ge @!p0 [sflag:s2], $0x2000  }
0x96: {  	[sflag:s2] =	ssyncset.done @!p0 $0x0  }
0x97: {  	[sflag:s2] =	ssyncadd.s32 @!p0 $0xFFFFE000;
	s2 =	sadd.s32 @!p0 $0x780, s24  }
0x98: {  	[tilespmem:s30], [sflag:$0x6] =	stream.indirect.gather @!p0 [hbm4b:s1+s25], $0x80, s2, s25, $0xb8;
	[tilespmem:$0x17400] =	vst v63  }
0x99: {  	_ =	swait.ge [sflag:s19], $0x2000  }
0x9a: {  	[sflag:s19] =	ssyncset.done $0x0  }
0x9b: {  	s30 =	sadd.s32 $0xFFFFF400, s12;
	s2 =	simm.s32 @p0 $0x8;
	[sflag:s19] =	ssyncadd.s32 $0xFFFFE000  }
0x9c: {  	[hbm4b:s30+s3] =	stream.linear.scatter [tilespmem:s26], [sflag:$0x11], $0x2000, $0x38;
	[tilespmem:$0x17400] =	vst v63  }
0x9d: {  	_ =	swait.ge @p0 [sflag:s2], $0x2000  }
0x9e: {  	[sflag:s2] =	ssyncset.done @p0 $0x0  }
0x9f: {  	[sflag:s2] =	ssyncadd.s32 @p0 $0xFFFFE000;
	s2 =	simm.s32 @p0 $0x11400  }
0xa0: {  	[hbm4b:s9+s28] =	stream.linear.scatter @p0 [tilespmem:s2], [sflag:$0x12], $0x2000, $0x38;
	[tilespmem:$0x17400] =	vst v63  }
0xa1: {  	s2 =	simm.s32 @!p0 $0x11  }
0xa2: {  	_ =	swait.ge @!p0 [sflag:s2], $0x2000  }
0xa3: {  	[sflag:s2] =	ssyncset.done @!p0 $0x0  }
0xa4: {  	s28 =	simm.s32 @!p0 $0xF400;
	[sflag:s2] =	ssyncadd.s32 @!p0 $0xFFFFE000;
	s2 =	sadd.s32 @!p0 $0x800, s24  }
0xa5: {  	[tilespmem:s28], [sflag:$0x7] =	stream.indirect.gather @!p0 [hbm4b:s1+s25], $0x80, s2, s25, $0xb8;
	[tilespmem:$0x17400] =	vst v63  }
0xa6: {  	s2 =	simm.s32 @!p0 $0x8  }
0xa7: {  	_ =	swait.ge @!p0 [sflag:s2], $0x2000  }
0xa8: {  	[sflag:s2] =	ssyncset.done @!p0 $0x0  }
0xa9: {  	s28 =	simm.s32 @!p0 $0x11400;
	[sflag:s2] =	ssyncadd.s32 @!p0 $0xFFFFE000;
	s2 =	sadd.s32 @!p0 $0xFFFFF800, s12  }
0xaa: {  	[hbm4b:s2+s29] =	stream.linear.scatter @!p0 [tilespmem:s28], [sflag:$0x12], $0x2000, $0x38;
	[tilespmem:$0x17400] =	vst v63  }
0xab: {  	s2 =	simm.s32 @!p0 $0x12  }
0xac: {  	_ =	swait.ge @!p0 [sflag:s2], $0x2000  }
0xad: {  	[sflag:s2] =	ssyncset.done @!p0 $0x0  }
0xae: {  	[sflag:s2] =	ssyncadd.s32 @!p0 $0xFFFFE000;
	s2 =	sadd.s32 @!p0 $0x880, s24  }
0xaf: {  	[tilespmem:s28], [sflag:$0x8] =	stream.indirect.gather @!p0 [hbm4b:s1+s25], $0x80, s2, s25, $0xb8;
	[tilespmem:$0x17400] =	vst v63  }
.Ltmp2:
0xb0: {  	_ = 	snop;
	(pc) =	sbr.rel @p0 .LBB2_4-.Ltmp2, $4  }
0xb1: {  	_ =	swait.ge [sflag:s20], $0x2000  }
0xb2: {  	[sflag:s20] =	ssyncset.done $0x0  }
0xb3: {  	s30 =	sadd.s32 $0xFFFFFC00, s12;
	[sflag:s20] =	ssyncadd.s32 $0xFFFFE000  }
0xb4: {  	[hbm4b:s30+s3] =	stream.linear.scatter [tilespmem:s31], [sflag:$0x13], $0x2000, $0x38;
	[tilespmem:$0x17400] =	vst v63  }
0xb5: {  	_ =	swait.ge [sflag:s5], $0x2000  }
0xb6: {  	s2 =	sshra.s32 s23, $0x2;
	[sflag:s5] =	ssyncset.done $0x0  }
0xb7: {  	s24 =	sadd.s32 $0x900, s2;
	[sflag:s5] =	ssyncadd.s32 $0xFFFFE000  }
0xb8: {  	[tilespmem:s31], [sflag:$0x9] =	stream.indirect.gather [hbm4b:s1+s13], $0x80, s24, s13, $0xb8;
	[tilespmem:$0x17400] =	vst v63  }
0xb9: {  	_ =	swait.ge [sflag:s21], $0x2000  }
0xba: {  	[sflag:s21] =	ssyncset.done $0x0  }
0xbb: {  	[sflag:s21] =	ssyncadd.s32 $0xFFFFE000  }
0xbc: {  	[hbm4b:s12+s3] =	stream.linear.scatter [tilespmem:s0], [sflag:$0x14], $0x2000, $0x38;
	[tilespmem:$0x17400] =	vst v63  }
.Ltmp3:
0xbd: {  	_ = 	snop;
	(pc) =	sbr.rel .LBB2_2-.Ltmp3, $4  }
0xbe: {  	_ =	swait.ge [sflag:s10], $0x2000  }
0xbf: {  	s23 =	sadd.s32 $0x1400, s23;
	[sflag:s10] =	ssyncset.done $0x0  }
0xc0: {  	s2 =	sadd.s32 $0x980, s2;
	s12 =	sadd.s32 $0x2800, s12;
	[sflag:s10] =	ssyncadd.s32 $0xFFFFE000  }
0xc1: {  	[tilespmem:s0], [sflag:$0xA] =	stream.indirect.gather [hbm4b:s1+s13], $0x80, s2, s13, $0xb8;
	[tilespmem:$0x17400] =	vst v63  }
.LBB2_5:
0xc2: {  	_ =	sfence.sel $0x180000  }
0xc3: {  	[bflag:$0x0] =	sbarrier.arrive $0xFFFF  }
0xc4: {  	_ =	strace $0x90000047  }
0xc5: {  	s0 =	stileid.u32;
	[bflag:$0x2] =	sbarrier.arrive $0xFFFF  }
0xc6: {  	p0 =	sne.s32 s0, $0x0;
	s0 =	rddreg [dreg:$0x3]  }
0xc7: {  	s0 =	sadd.s32 @!p0 $0x100000, s0  }
0xc8: {  	[sflag:s0] =	ssyncadd.tile.s32 @!p0 $0x1;
	_ =	shalt  }
.Lfunc_end2:
_tile_overlayer_lowered:
.L_overlay_start_2:
0xc9: {  	(tag) =	ssettag $0x2  }
0xca: {  	s0 =	rddreg [dreg:$0x0];
	s2 =	stileid.u32  }
0xcb: {  	s1 =	rddreg [dreg:$0x1];
	p0 =	sne.s32 s2, $0x0  }
0xcc: {  	s3 =	rddreg [dreg:$0x2];
	[bflag:$0x3] =	sbarrier.arrive $0xFFFF;
	s2 =	simm.s32 @!p0 $0x1C15  }
0xcd: {  	[timem:s3], [sflag:s2] =	dma.local @!p0 [hbm:s0], s1  }
0xce: {  	s0 =	simm.s32 @!p0 $0x15  }
0xcf: {  	_ =	swait.ge @!p0 [sflag:s0], s1  }
0xd0: {  	s1 =	ssub.s32 @!p0 $0x0, s1;
	[sflag:s0] =	ssyncset.done @!p0 $0x0  }
0xd1: {  	[sflag:s0] =	ssyncadd.s32 @!p0 s1  }
0xd2: {  	[bflag:$0x3] =	sbarrier.arrive $0xFFFF  }
0xd3: {  	_ =	shalt  }

</sc_bundles>
